<compile_context>
chip_gen: v7x
topology: tpu7x:2x2x1
jax: 0.10.2.dev20260603
libtpu: 0.0.44.dev20260713+nightly
codegen_flags: <defaults>
</compile_context>

<pallas_src>
import functools

import jax
import jax.numpy as jnp
from jax import lax
from jax.experimental import pallas as pl
from jax.experimental.pallas import tpu as pltpu
from jax.experimental.pallas import tpu_sc as plsc

D = 128
NC = 2
NS = 16
NW = NC * NS
CHUNK = 128
NB = 4


def _make_gather(n_idx):
    assert n_idx % (NW * CHUNK * NB) == 0
    n_chunks = n_idx // CHUNK
    chunks_per_w = n_chunks // NW
    n_iters = chunks_per_w // NB
    mesh = plsc.VectorSubcoreMesh(core_axis_name="c", subcore_axis_name="s")

    @functools.partial(
        pl.kernel,
        mesh=mesh,
        out_type=jax.ShapeDtypeStruct((n_chunks, CHUNK, D), jnp.float32),
        scratch_types=[
            pltpu.VMEM((chunks_per_w, CHUNK), jnp.int32),
            pltpu.VMEM((NB, CHUNK, D), jnp.float32),
            [pltpu.SemaphoreType.DMA] * NB,
            [pltpu.SemaphoreType.DMA] * NB,
        ],
    )
    def gather_kernel(idx_hbm, table_hbm, out_hbm, idx_all, rows_v,
                      gsems, osems):
        wid = lax.axis_index("s") * NC + lax.axis_index("c")
        chunk0 = wid * chunks_per_w

        def gather(g, b):
            return pltpu.make_async_copy(
                table_hbm.at[idx_all.at[g]], rows_v.at[b], gsems[b])

        def out_write(g, b):
            return pltpu.make_async_copy(
                rows_v.at[b], out_hbm.at[chunk0 + g], osems[b])

        pltpu.sync_copy(idx_hbm.at[pl.ds(chunk0, chunks_per_w)], idx_all)

        DEPTH = 2

        def step(i, carry):
            for b in range(NB):
                g = NB * i + b
                @pl.when(i >= 1)
                def _():
                    out_write(g - NB, b).wait()
                gather(g, b).start()
                if b >= DEPTH:
                    gather(g - DEPTH, b - DEPTH).wait()
                    out_write(g - DEPTH, b - DEPTH).start()
                else:
                    @pl.when(i >= 1)
                    def _():
                        gather(g - DEPTH, b - DEPTH + NB).wait()
                        out_write(g - DEPTH, b - DEPTH + NB).start()
            return carry

        lax.fori_loop(0, n_iters, step, 0)

        last = chunks_per_w - 1
        for d in range(DEPTH - 1, -1, -1):
            gather(last - d, (last - d) % NB).wait()
            out_write(last - d, (last - d) % NB).start()
        for b in range(NB):
            out_write(last - (NB - 1) + b, b).wait()

    return gather_kernel


def kernel(x, table):
    b, s = x.shape
    idx = x.reshape(-1, CHUNK).astype(jnp.int32)
    out = _make_gather(idx.size)(idx, table)
    return out.reshape(b, s, D)

# --- scband reference (transcript-rebuilt; emitter-appended) ---
"""Pipeline reference for scband-dnaembedding-36447092474049 (READ-ONLY COPY).

The authoritative reference and input builder live on the scoring server;
editing this copy changes nothing except your own understanding.
"""

import jax, jax.numpy as jnp
import numpy as np

VOCAB_SIZE = 100000
EMBED_DIM = 128

def setup_inputs(seed: int = 0) -> dict:
    key = jax.random.key(seed)
    k_idx, k_tab = jax.random.split(key)
    x = jax.random.randint(k_idx, (4096, 200), 0, VOCAB_SIZE, dtype=jnp.int64) if jax.config.jax_enable_x64 else jax.random.randint(k_idx, (4096, 200), 0, VOCAB_SIZE, dtype=jnp.int32)
    table = jax.random.normal(k_tab, (VOCAB_SIZE, EMBED_DIM), dtype=jnp.float32)
    return {"x": x, "table": table}

def reference(x, table):
    # nn.Embedding forward: gather rows of the embedding table by index
    return jnp.take(table, x, axis=0)

if __name__ == "__main__":
    import jax
    _d = setup_inputs()
    print(jax.jit(kernel)(*tuple(_d.values())))

</pallas_src>

<mosaic_0001>
#map = affine_map<(d0, d1) -> (0, 0)>
#map1 = affine_map<(d0, d1) -> (0, 0, 0)>
module attributes {stable_mosaic.version = 14 : i64} {
  func.func @gather_kernel(%arg0: i32, %arg1: i32, %arg2: memref<6400x128xi32, #tpu.memory_space<hbm>>, %arg3: memref<100000x128xf32, #tpu.memory_space<hbm>>, %arg4: memref<6400x128x128xf32, #tpu.memory_space<hbm>>, %arg5: memref<200x128xi32, #tpu.memory_space<vmem>>, %arg6: memref<4x128x128xf32, #tpu.memory_space<vmem>>, %arg7: memref<!tpu.dma_semaphore, #tpu.memory_space<semaphore_mem>>, %arg8: memref<!tpu.dma_semaphore, #tpu.memory_space<semaphore_mem>>, %arg9: memref<!tpu.dma_semaphore, #tpu.memory_space<semaphore_mem>>, %arg10: memref<!tpu.dma_semaphore, #tpu.memory_space<semaphore_mem>>, %arg11: memref<!tpu.dma_semaphore, #tpu.memory_space<semaphore_mem>>, %arg12: memref<!tpu.dma_semaphore, #tpu.memory_space<semaphore_mem>>, %arg13: memref<!tpu.dma_semaphore, #tpu.memory_space<semaphore_mem>>, %arg14: memref<!tpu.dma_semaphore, #tpu.memory_space<semaphore_mem>>) attributes {dimension_semantics = [#tpu.dimension_semantics<core_parallel>, #tpu.dimension_semantics<subcore_parallel>], iteration_bounds = array<i64: 2, 16>, scalar_prefetch = 0 : i64, scratch_operands = 10 : i64, tpu.core_type = #tpu.core_type<sc_vector_subcore>, window_params = [{transform_indices = #map}, {transform_indices = #map}, {transform_indices = #map1}]} {
    %mul3A = arith.constant 2 : i32
    %mul3A_0 = arith.muli %arg1, %mul3A : i32
    %add3A = arith.addi %mul3A_0, %arg0 : i32
    %mul3A_1 = arith.constant 200 : i32
    %mul3A_2 = arith.muli %add3A, %mul3A_1 : i32
    "tpu.region"() ({
      %run_scoped3A = tpu.sem_alloc : memref<!tpu.dma_semaphore, #tpu.memory_space<semaphore_mem>>
      %dma_start3A_144 = arith.constant 0 : i32
      %dma_start3A_145 = tpu.memref_slice %arg2[%mul3A_2, %dma_start3A_144] : memref<6400x128xi32, #tpu.memory_space<hbm>> -> memref<200x128xi32, #tpu.memory_space<hbm>>
      %dma_start3A_146 = arith.constant 0 : i32
      %dma_start3A_147 = tpu.memref_slice %arg2[%mul3A_2, %dma_start3A_146] : memref<6400x128xi32, #tpu.memory_space<hbm>> -> memref<200x128xi32, #tpu.memory_space<hbm>>
      tpu.enqueue_dma source(%dma_start3A_147 : memref<200x128xi32, #tpu.memory_space<hbm>>) target(%arg5 : memref<200x128xi32, #tpu.memory_space<vmem>>) target_semaphore(%run_scoped3A : memref<!tpu.dma_semaphore, #tpu.memory_space<semaphore_mem>>)
      %dma_wait3A_148 = arith.constant 0 : i32
      %dma_wait3A_149 = tpu.memref_slice %arg2[%mul3A_2, %dma_wait3A_148] : memref<6400x128xi32, #tpu.memory_space<hbm>> -> memref<200x128xi32, #tpu.memory_space<hbm>>
      %dma_wait3A_150 = arith.constant 0 : i32
      %dma_wait3A_151 = tpu.memref_slice %arg2[%mul3A_2, %dma_wait3A_150] : memref<6400x128xi32, #tpu.memory_space<hbm>> -> memref<200x128xi32, #tpu.memory_space<hbm>>
      tpu.wait_dma2 semaphore(%run_scoped3A : memref<!tpu.dma_semaphore, #tpu.memory_space<semaphore_mem>>) src(%dma_wait3A_151 : memref<200x128xi32, #tpu.memory_space<hbm>>) dst(%arg5 : memref<200x128xi32, #tpu.memory_space<vmem>>)
      tpu.yield
    }) : () -> ()
    %scan3A = arith.constant 0 : i32
    %scan3A_3 = arith.constant 0 : i32
    %scan3A_4 = arith.constant 50 : i32
    %scan3A_5 = arith.addi %scan3A_3, %scan3A_4 : i32
    %scan3A_6 = arith.constant 1 : i32
    scf.for %scan3A_144 = %scan3A_3 to %scan3A_5 step %scan3A_6  : i32 {
      %mul3A_145 = arith.constant 4 : i32
      %mul3A_146 = arith.muli %mul3A_145, %scan3A_144 : i32
      %add3A_147 = arith.constant 0 : i32
      %add3A_148 = arith.addi %mul3A_146, %add3A_147 : i32
      %ge3A = arith.constant 1 : i32
      %ge3A_149 = arith.cmpi sge, %scan3A_144, %ge3A : i32
      %convert_element_type3A = arith.extui %ge3A_149 : i1 to i32
      %cond3A = arith.constant 0 : i32
      %cond3A_150 = arith.cmpi ne, %convert_element_type3A, %cond3A : i32
      scf.if %cond3A_150 {
        %sub3A_297 = arith.constant 4 : i32
        %sub3A_298 = arith.subi %add3A_148, %sub3A_297 : i32
        %add3A_299 = arith.addi %mul3A_2, %sub3A_298 : i32
        %dma_wait3A_300 = arith.constant 0 : i32
        %dma_wait3A_301 = arith.constant 0 : i32
        %dma_wait3A_302 = arith.constant 0 : i32
        %dma_wait3A_303 = tpu.memref_slice %arg6[%dma_wait3A_300, %dma_wait3A_301, %dma_wait3A_302] : memref<4x128x128xf32, #tpu.memory_space<vmem>> -> memref<1x128x128xf32, #tpu.memory_space<vmem>>
        %dma_wait3A_304 = tpu.memref_squeeze %dma_wait3A_303 : memref<1x128x128xf32, #tpu.memory_space<vmem>> -> memref<128x128xf32, #tpu.memory_space<vmem>>
        %dma_wait3A_305 = arith.constant 0 : i32
        %dma_wait3A_306 = arith.constant 0 : i32
        %dma_wait3A_307 = tpu.memref_slice %arg4[%add3A_299, %dma_wait3A_305, %dma_wait3A_306] : memref<6400x128x128xf32, #tpu.memory_space<hbm>> -> memref<1x128x128xf32, #tpu.memory_space<hbm>>
        %dma_wait3A_308 = tpu.memref_squeeze %dma_wait3A_307 : memref<1x128x128xf32, #tpu.memory_space<hbm>> -> memref<128x128xf32, #tpu.memory_space<hbm>>
        %dma_wait3A_309 = arith.constant 0 : i32
        %dma_wait3A_310 = arith.constant 0 : i32
        %dma_wait3A_311 = tpu.memref_slice %arg4[%add3A_299, %dma_wait3A_309, %dma_wait3A_310] : memref<6400x128x128xf32, #tpu.memory_space<hbm>> -> memref<1x128x128xf32, #tpu.memory_space<hbm>>
        %dma_wait3A_312 = tpu.memref_squeeze %dma_wait3A_311 : memref<1x128x128xf32, #tpu.memory_space<hbm>> -> memref<128x128xf32, #tpu.memory_space<hbm>>
        %dma_wait3A_313 = arith.constant 0 : i32
        %dma_wait3A_314 = arith.constant 0 : i32
        %dma_wait3A_315 = tpu.memref_slice %arg6[%dma_wait3A_300, %dma_wait3A_313, %dma_wait3A_314] : memref<4x128x128xf32, #tpu.memory_space<vmem>> -> memref<1x128x128xf32, #tpu.memory_space<vmem>>
        %dma_wait3A_316 = tpu.memref_squeeze %dma_wait3A_315 : memref<1x128x128xf32, #tpu.memory_space<vmem>> -> memref<128x128xf32, #tpu.memory_space<vmem>>
        tpu.wait_dma2 semaphore(%arg11 : memref<!tpu.dma_semaphore, #tpu.memory_space<semaphore_mem>>) src(%dma_wait3A_316 : memref<128x128xf32, #tpu.memory_space<vmem>>) dst(%dma_wait3A_312 : memref<128x128xf32, #tpu.memory_space<hbm>>)
      } else {
      }
      %dma_start3A_151 = arith.constant 0 : i32
      %dma_start3A_152 = arith.constant 0 : i32
      %dma_start3A_153 = arith.constant 0 : i32
      %dma_start3A_154 = tpu.memref_slice %arg6[%dma_start3A_151, %dma_start3A_152, %dma_start3A_153] : memref<4x128x128xf32, #tpu.memory_space<vmem>> -> memref<1x128x128xf32, #tpu.memory_space<vmem>>
      %dma_start3A_155 = tpu.memref_squeeze %dma_start3A_154 : memref<1x128x128xf32, #tpu.memory_space<vmem>> -> memref<128x128xf32, #tpu.memory_space<vmem>>
      %dma_start3A_156 = arith.constant 0 : i32
      %dma_start3A_157 = tpu.memref_slice %arg5[%add3A_148, %dma_start3A_156] : memref<200x128xi32, #tpu.memory_space<vmem>> -> memref<1x128xi32, #tpu.memory_space<vmem>>
      %dma_start3A_158 = tpu.memref_squeeze %dma_start3A_157 : memref<1x128xi32, #tpu.memory_space<vmem>> -> memref<128xi32, #tpu.memory_space<vmem>>
      %dma_start3A_159 = arith.constant 0 : i32
      %dma_start3A_160 = arith.constant 0 : i32
      %dma_start3A_161 = tpu.memref_slice %arg3[%dma_start3A_159, %dma_start3A_160] : memref<100000x128xf32, #tpu.memory_space<hbm>> -> memref<100000x128xf32, #tpu.memory_space<hbm>>
      tpu.enqueue_indirect_dma source(%dma_start3A_161 : memref<100000x128xf32, #tpu.memory_space<hbm>>) target(%dma_start3A_155 : memref<128x128xf32, #tpu.memory_space<vmem>>) offsets(%dma_start3A_158 : memref<128xi32, #tpu.memory_space<vmem>>) semaphore(%arg7 : memref<!tpu.dma_semaphore, #tpu.memory_space<semaphore_mem>>)
      %ge3A_162 = arith.constant 1 : i32
      %ge3A_163 = arith.cmpi sge, %scan3A_144, %ge3A_162 : i32
      %convert_element_type3A_164 = arith.extui %ge3A_163 : i1 to i32
      %cond3A_165 = arith.constant 0 : i32
      %cond3A_166 = arith.cmpi ne, %convert_element_type3A_164, %cond3A_165 : i32
      scf.if %cond3A_166 {
        %sub3A_297 = arith.constant 2 : i32
        %sub3A_298 = arith.subi %add3A_148, %sub3A_297 : i32
        %dma_wait3A_299 = arith.constant 2 : i32
        %dma_wait3A_300 = arith.constant 0 : i32
        %dma_wait3A_301 = arith.constant 0 : i32
        %dma_wait3A_302 = tpu.memref_slice %arg6[%dma_wait3A_299, %dma_wait3A_300, %dma_wait3A_301] : memref<4x128x128xf32, #tpu.memory_space<vmem>> -> memref<1x128x128xf32, #tpu.memory_space<vmem>>
        %dma_wait3A_303 = tpu.memref_squeeze %dma_wait3A_302 : memref<1x128x128xf32, #tpu.memory_space<vmem>> -> memref<128x128xf32, #tpu.memory_space<vmem>>
        %dma_wait3A_304 = arith.constant 0 : i32
        %dma_wait3A_305 = tpu.memref_slice %arg5[%sub3A_298, %dma_wait3A_304] : memref<200x128xi32, #tpu.memory_space<vmem>> -> memref<1x128xi32, #tpu.memory_space<vmem>>
        %dma_wait3A_306 = tpu.memref_squeeze %dma_wait3A_305 : memref<1x128xi32, #tpu.memory_space<vmem>> -> memref<128xi32, #tpu.memory_space<vmem>>
        %dma_wait3A_307 = arith.constant 0 : i32
        %dma_wait3A_308 = arith.constant 0 : i32
        %dma_wait3A_309 = tpu.memref_slice %arg3[%dma_wait3A_307, %dma_wait3A_308] : memref<100000x128xf32, #tpu.memory_space<hbm>> -> memref<100000x128xf32, #tpu.memory_space<hbm>>
        tpu.wait_indirect_dma semaphore(%arg9 : memref<!tpu.dma_semaphore, #tpu.memory_space<semaphore_mem>>) src(%dma_wait3A_309 : memref<100000x128xf32, #tpu.memory_space<hbm>>) dst(%dma_wait3A_303 : memref<128x128xf32, #tpu.memory_space<vmem>>)
        %sub3A_310 = arith.constant 2 : i32
        %sub3A_311 = arith.subi %add3A_148, %sub3A_310 : i32
        %add3A_312 = arith.addi %mul3A_2, %sub3A_311 : i32
        %dma_start3A_313 = arith.constant 2 : i32
        %dma_start3A_314 = arith.constant 0 : i32
        %dma_start3A_315 = arith.constant 0 : i32
        %dma_start3A_316 = tpu.memref_slice %arg6[%dma_start3A_313, %dma_start3A_314, %dma_start3A_315] : memref<4x128x128xf32, #tpu.memory_space<vmem>> -> memref<1x128x128xf32, #tpu.memory_space<vmem>>
        %dma_start3A_317 = tpu.memref_squeeze %dma_start3A_316 : memref<1x128x128xf32, #tpu.memory_space<vmem>> -> memref<128x128xf32, #tpu.memory_space<vmem>>
        %dma_start3A_318 = arith.constant 0 : i32
        %dma_start3A_319 = arith.constant 0 : i32
        %dma_start3A_320 = tpu.memref_slice %arg4[%add3A_312, %dma_start3A_318, %dma_start3A_319] : memref<6400x128x128xf32, #tpu.memory_space<hbm>> -> memref<1x128x128xf32, #tpu.memory_space<hbm>>
        %dma_start3A_321 = tpu.memref_squeeze %dma_start3A_320 : memref<1x128x128xf32, #tpu.memory_space<hbm>> -> memref<128x128xf32, #tpu.memory_space<hbm>>
        %dma_start3A_322 = arith.constant 0 : i32
        %dma_start3A_323 = arith.constant 0 : i32
        %dma_start3A_324 = tpu.memref_slice %arg4[%add3A_312, %dma_start3A_322, %dma_start3A_323] : memref<6400x128x128xf32, #tpu.memory_space<hbm>> -> memref<1x128x128xf32, #tpu.memory_space<hbm>>
        %dma_start3A_325 = tpu.memref_squeeze %dma_start3A_324 : memref<1x128x128xf32, #tpu.memory_space<hbm>> -> memref<128x128xf32, #tpu.memory_space<hbm>>
        %dma_start3A_326 = arith.constant 0 : i32
        %dma_start3A_327 = arith.constant 0 : i32
        %dma_start3A_328 = tpu.memref_slice %arg6[%dma_start3A_313, %dma_start3A_326, %dma_start3A_327] : memref<4x128x128xf32, #tpu.memory_space<vmem>> -> memref<1x128x128xf32, #tpu.memory_space<vmem>>
        %dma_start3A_329 = tpu.memref_squeeze %dma_start3A_328 : memref<1x128x128xf32, #tpu.memory_space<vmem>> -> memref<128x128xf32, #tpu.memory_space<vmem>>
        tpu.enqueue_dma source(%dma_start3A_329 : memref<128x128xf32, #tpu.memory_space<vmem>>) target(%dma_start3A_325 : memref<128x128xf32, #tpu.memory_space<hbm>>) target_semaphore(%arg13 : memref<!tpu.dma_semaphore, #tpu.memory_space<semaphore_mem>>)
      } else {
      }
      %mul3A_167 = arith.constant 4 : i32
      %mul3A_168 = arith.muli %mul3A_167, %scan3A_144 : i32
      %add3A_169 = arith.constant 1 : i32
      %add3A_170 = arith.addi %mul3A_168, %add3A_169 : i32
      %ge3A_171 = arith.constant 1 : i32
      %ge3A_172 = arith.cmpi sge, %scan3A_144, %ge3A_171 : i32
      %convert_element_type3A_173 = arith.extui %ge3A_172 : i1 to i32
      %cond3A_174 = arith.constant 0 : i32
      %cond3A_175 = arith.cmpi ne, %convert_element_type3A_173, %cond3A_174 : i32
      scf.if %cond3A_175 {
        %sub3A_297 = arith.constant 4 : i32
        %sub3A_298 = arith.subi %add3A_170, %sub3A_297 : i32
        %add3A_299 = arith.addi %mul3A_2, %sub3A_298 : i32
        %dma_wait3A_300 = arith.constant 1 : i32
        %dma_wait3A_301 = arith.constant 0 : i32
        %dma_wait3A_302 = arith.constant 0 : i32
        %dma_wait3A_303 = tpu.memref_slice %arg6[%dma_wait3A_300, %dma_wait3A_301, %dma_wait3A_302] : memref<4x128x128xf32, #tpu.memory_space<vmem>> -> memref<1x128x128xf32, #tpu.memory_space<vmem>>
        %dma_wait3A_304 = tpu.memref_squeeze %dma_wait3A_303 : memref<1x128x128xf32, #tpu.memory_space<vmem>> -> memref<128x128xf32, #tpu.memory_space<vmem>>
        %dma_wait3A_305 = arith.constant 0 : i32
        %dma_wait3A_306 = arith.constant 0 : i32
        %dma_wait3A_307 = tpu.memref_slice %arg4[%add3A_299, %dma_wait3A_305, %dma_wait3A_306] : memref<6400x128x128xf32, #tpu.memory_space<hbm>> -> memref<1x128x128xf32, #tpu.memory_space<hbm>>
        %dma_wait3A_308 = tpu.memref_squeeze %dma_wait3A_307 : memref<1x128x128xf32, #tpu.memory_space<hbm>> -> memref<128x128xf32, #tpu.memory_space<hbm>>
        %dma_wait3A_309 = arith.constant 0 : i32
        %dma_wait3A_310 = arith.constant 0 : i32
        %dma_wait3A_311 = tpu.memref_slice %arg4[%add3A_299, %dma_wait3A_309, %dma_wait3A_310] : memref<6400x128x128xf32, #tpu.memory_space<hbm>> -> memref<1x128x128xf32, #tpu.memory_space<hbm>>
        %dma_wait3A_312 = tpu.memref_squeeze %dma_wait3A_311 : memref<1x128x128xf32, #tpu.memory_space<hbm>> -> memref<128x128xf32, #tpu.memory_space<hbm>>
        %dma_wait3A_313 = arith.constant 0 : i32
        %dma_wait3A_314 = arith.constant 0 : i32
        %dma_wait3A_315 = tpu.memref_slice %arg6[%dma_wait3A_300, %dma_wait3A_313, %dma_wait3A_314] : memref<4x128x128xf32, #tpu.memory_space<vmem>> -> memref<1x128x128xf32, #tpu.memory_space<vmem>>
        %dma_wait3A_316 = tpu.memref_squeeze %dma_wait3A_315 : memref<1x128x128xf32, #tpu.memory_space<vmem>> -> memref<128x128xf32, #tpu.memory_space<vmem>>
        tpu.wait_dma2 semaphore(%arg12 : memref<!tpu.dma_semaphore, #tpu.memory_space<semaphore_mem>>) src(%dma_wait3A_316 : memref<128x128xf32, #tpu.memory_space<vmem>>) dst(%dma_wait3A_312 : memref<128x128xf32, #tpu.memory_space<hbm>>)
      } else {
      }
      %dma_start3A_176 = arith.constant 1 : i32
      %dma_start3A_177 = arith.constant 0 : i32
      %dma_start3A_178 = arith.constant 0 : i32
      %dma_start3A_179 = tpu.memref_slice %arg6[%dma_start3A_176, %dma_start3A_177, %dma_start3A_178] : memref<4x128x128xf32, #tpu.memory_space<vmem>> -> memref<1x128x128xf32, #tpu.memory_space<vmem>>
      %dma_start3A_180 = tpu.memref_squeeze %dma_start3A_179 : memref<1x128x128xf32, #tpu.memory_space<vmem>> -> memref<128x128xf32, #tpu.memory_space<vmem>>
      %dma_start3A_181 = arith.constant 0 : i32
      %dma_start3A_182 = tpu.memref_slice %arg5[%add3A_170, %dma_start3A_181] : memref<200x128xi32, #tpu.memory_space<vmem>> -> memref<1x128xi32, #tpu.memory_space<vmem>>
      %dma_start3A_183 = tpu.memref_squeeze %dma_start3A_182 : memref<1x128xi32, #tpu.memory_space<vmem>> -> memref<128xi32, #tpu.memory_space<vmem>>
      %dma_start3A_184 = arith.constant 0 : i32
      %dma_start3A_185 = arith.constant 0 : i32
      %dma_start3A_186 = tpu.memref_slice %arg3[%dma_start3A_184, %dma_start3A_185] : memref<100000x128xf32, #tpu.memory_space<hbm>> -> memref<100000x128xf32, #tpu.memory_space<hbm>>
      tpu.enqueue_indirect_dma source(%dma_start3A_186 : memref<100000x128xf32, #tpu.memory_space<hbm>>) target(%dma_start3A_180 : memref<128x128xf32, #tpu.memory_space<vmem>>) offsets(%dma_start3A_183 : memref<128xi32, #tpu.memory_space<vmem>>) semaphore(%arg8 : memref<!tpu.dma_semaphore, #tpu.memory_space<semaphore_mem>>)
      %ge3A_187 = arith.constant 1 : i32
      %ge3A_188 = arith.cmpi sge, %scan3A_144, %ge3A_187 : i32
      %convert_element_type3A_189 = arith.extui %ge3A_188 : i1 to i32
      %cond3A_190 = arith.constant 0 : i32
      %cond3A_191 = arith.cmpi ne, %convert_element_type3A_189, %cond3A_190 : i32
      scf.if %cond3A_191 {
        %sub3A_297 = arith.constant 2 : i32
        %sub3A_298 = arith.subi %add3A_170, %sub3A_297 : i32
        %dma_wait3A_299 = arith.constant 3 : i32
        %dma_wait3A_300 = arith.constant 0 : i32
        %dma_wait3A_301 = arith.constant 0 : i32
        %dma_wait3A_302 = tpu.memref_slice %arg6[%dma_wait3A_299, %dma_wait3A_300, %dma_wait3A_301] : memref<4x128x128xf32, #tpu.memory_space<vmem>> -> memref<1x128x128xf32, #tpu.memory_space<vmem>>
        %dma_wait3A_303 = tpu.memref_squeeze %dma_wait3A_302 : memref<1x128x128xf32, #tpu.memory_space<vmem>> -> memref<128x128xf32, #tpu.memory_space<vmem>>
        %dma_wait3A_304 = arith.constant 0 : i32
        %dma_wait3A_305 = tpu.memref_slice %arg5[%sub3A_298, %dma_wait3A_304] : memref<200x128xi32, #tpu.memory_space<vmem>> -> memref<1x128xi32, #tpu.memory_space<vmem>>
        %dma_wait3A_306 = tpu.memref_squeeze %dma_wait3A_305 : memref<1x128xi32, #tpu.memory_space<vmem>> -> memref<128xi32, #tpu.memory_space<vmem>>
        %dma_wait3A_307 = arith.constant 0 : i32
        %dma_wait3A_308 = arith.constant 0 : i32
        %dma_wait3A_309 = tpu.memref_slice %arg3[%dma_wait3A_307, %dma_wait3A_308] : memref<100000x128xf32, #tpu.memory_space<hbm>> -> memref<100000x128xf32, #tpu.memory_space<hbm>>
        tpu.wait_indirect_dma semaphore(%arg10 : memref<!tpu.dma_semaphore, #tpu.memory_space<semaphore_mem>>) src(%dma_wait3A_309 : memref<100000x128xf32, #tpu.memory_space<hbm>>) dst(%dma_wait3A_303 : memref<128x128xf32, #tpu.memory_space<vmem>>)
        %sub3A_310 = arith.constant 2 : i32
        %sub3A_311 = arith.subi %add3A_170, %sub3A_310 : i32
        %add3A_312 = arith.addi %mul3A_2, %sub3A_311 : i32
        %dma_start3A_313 = arith.constant 3 : i32
        %dma_start3A_314 = arith.constant 0 : i32
        %dma_start3A_315 = arith.constant 0 : i32
        %dma_start3A_316 = tpu.memref_slice %arg6[%dma_start3A_313, %dma_start3A_314, %dma_start3A_315] : memref<4x128x128xf32, #tpu.memory_space<vmem>> -> memref<1x128x128xf32, #tpu.memory_space<vmem>>
        %dma_start3A_317 = tpu.memref_squeeze %dma_start3A_316 : memref<1x128x128xf32, #tpu.memory_space<vmem>> -> memref<128x128xf32, #tpu.memory_space<vmem>>
        %dma_start3A_318 = arith.constant 0 : i32
        %dma_start3A_319 = arith.constant 0 : i32
        %dma_start3A_320 = tpu.memref_slice %arg4[%add3A_312, %dma_start3A_318, %dma_start3A_319] : memref<6400x128x128xf32, #tpu.memory_space<hbm>> -> memref<1x128x128xf32, #tpu.memory_space<hbm>>
        %dma_start3A_321 = tpu.memref_squeeze %dma_start3A_320 : memref<1x128x128xf32, #tpu.memory_space<hbm>> -> memref<128x128xf32, #tpu.memory_space<hbm>>
        %dma_start3A_322 = arith.constant 0 : i32
        %dma_start3A_323 = arith.constant 0 : i32
        %dma_start3A_324 = tpu.memref_slice %arg4[%add3A_312, %dma_start3A_322, %dma_start3A_323] : memref<6400x128x128xf32, #tpu.memory_space<hbm>> -> memref<1x128x128xf32, #tpu.memory_space<hbm>>
        %dma_start3A_325 = tpu.memref_squeeze %dma_start3A_324 : memref<1x128x128xf32, #tpu.memory_space<hbm>> -> memref<128x128xf32, #tpu.memory_space<hbm>>
        %dma_start3A_326 = arith.constant 0 : i32
        %dma_start3A_327 = arith.constant 0 : i32
        %dma_start3A_328 = tpu.memref_slice %arg6[%dma_start3A_313, %dma_start3A_326, %dma_start3A_327] : memref<4x128x128xf32, #tpu.memory_space<vmem>> -> memref<1x128x128xf32, #tpu.memory_space<vmem>>
        %dma_start3A_329 = tpu.memref_squeeze %dma_start3A_328 : memref<1x128x128xf32, #tpu.memory_space<vmem>> -> memref<128x128xf32, #tpu.memory_space<vmem>>
        tpu.enqueue_dma source(%dma_start3A_329 : memref<128x128xf32, #tpu.memory_space<vmem>>) target(%dma_start3A_325 : memref<128x128xf32, #tpu.memory_space<hbm>>) target_semaphore(%arg14 : memref<!tpu.dma_semaphore, #tpu.memory_space<semaphore_mem>>)
      } else {
      }
      %mul3A_192 = arith.constant 4 : i32
      %mul3A_193 = arith.muli %mul3A_192, %scan3A_144 : i32
      %add3A_194 = arith.constant 2 : i32
      %add3A_195 = arith.addi %mul3A_193, %add3A_194 : i32
      %ge3A_196 = arith.constant 1 : i32
      %ge3A_197 = arith.cmpi sge, %scan3A_144, %ge3A_196 : i32
      %convert_element_type3A_198 = arith.extui %ge3A_197 : i1 to i32
      %cond3A_199 = arith.constant 0 : i32
      %cond3A_200 = arith.cmpi ne, %convert_element_type3A_198, %cond3A_199 : i32
      scf.if %cond3A_200 {
        %sub3A_297 = arith.constant 4 : i32
        %sub3A_298 = arith.subi %add3A_195, %sub3A_297 : i32
        %add3A_299 = arith.addi %mul3A_2, %sub3A_298 : i32
        %dma_wait3A_300 = arith.constant 2 : i32
        %dma_wait3A_301 = arith.constant 0 : i32
        %dma_wait3A_302 = arith.constant 0 : i32
        %dma_wait3A_303 = tpu.memref_slice %arg6[%dma_wait3A_300, %dma_wait3A_301, %dma_wait3A_302] : memref<4x128x128xf32, #tpu.memory_space<vmem>> -> memref<1x128x128xf32, #tpu.memory_space<vmem>>
        %dma_wait3A_304 = tpu.memref_squeeze %dma_wait3A_303 : memref<1x128x128xf32, #tpu.memory_space<vmem>> -> memref<128x128xf32, #tpu.memory_space<vmem>>
        %dma_wait3A_305 = arith.constant 0 : i32
        %dma_wait3A_306 = arith.constant 0 : i32
        %dma_wait3A_307 = tpu.memref_slice %arg4[%add3A_299, %dma_wait3A_305, %dma_wait3A_306] : memref<6400x128x128xf32, #tpu.memory_space<hbm>> -> memref<1x128x128xf32, #tpu.memory_space<hbm>>
        %dma_wait3A_308 = tpu.memref_squeeze %dma_wait3A_307 : memref<1x128x128xf32, #tpu.memory_space<hbm>> -> memref<128x128xf32, #tpu.memory_space<hbm>>
        %dma_wait3A_309 = arith.constant 0 : i32
        %dma_wait3A_310 = arith.constant 0 : i32
        %dma_wait3A_311 = tpu.memref_slice %arg4[%add3A_299, %dma_wait3A_309, %dma_wait3A_310] : memref<6400x128x128xf32, #tpu.memory_space<hbm>> -> memref<1x128x128xf32, #tpu.memory_space<hbm>>
        %dma_wait3A_312 = tpu.memref_squeeze %dma_wait3A_311 : memref<1x128x128xf32, #tpu.memory_space<hbm>> -> memref<128x128xf32, #tpu.memory_space<hbm>>
        %dma_wait3A_313 = arith.constant 0 : i32
        %dma_wait3A_314 = arith.constant 0 : i32
        %dma_wait3A_315 = tpu.memref_slice %arg6[%dma_wait3A_300, %dma_wait3A_313, %dma_wait3A_314] : memref<4x128x128xf32, #tpu.memory_space<vmem>> -> memref<1x128x128xf32, #tpu.memory_space<vmem>>
        %dma_wait3A_316 = tpu.memref_squeeze %dma_wait3A_315 : memref<1x128x128xf32, #tpu.memory_space<vmem>> -> memref<128x128xf32, #tpu.memory_space<vmem>>
        tpu.wait_dma2 semaphore(%arg13 : memref<!tpu.dma_semaphore, #tpu.memory_space<semaphore_mem>>) src(%dma_wait3A_316 : memref<128x128xf32, #tpu.memory_space<vmem>>) dst(%dma_wait3A_312 : memref<128x128xf32, #tpu.memory_space<hbm>>)
      } else {
      }
      %dma_start3A_201 = arith.constant 2 : i32
      %dma_start3A_202 = arith.constant 0 : i32
      %dma_start3A_203 = arith.constant 0 : i32
      %dma_start3A_204 = tpu.memref_slice %arg6[%dma_start3A_201, %dma_start3A_202, %dma_start3A_203] : memref<4x128x128xf32, #tpu.memory_space<vmem>> -> memref<1x128x128xf32, #tpu.memory_space<vmem>>
      %dma_start3A_205 = tpu.memref_squeeze %dma_start3A_204 : memref<1x128x128xf32, #tpu.memory_space<vmem>> -> memref<128x128xf32, #tpu.memory_space<vmem>>
      %dma_start3A_206 = arith.constant 0 : i32
      %dma_start3A_207 = tpu.memref_slice %arg5[%add3A_195, %dma_start3A_206] : memref<200x128xi32, #tpu.memory_space<vmem>> -> memref<1x128xi32, #tpu.memory_space<vmem>>
      %dma_start3A_208 = tpu.memref_squeeze %dma_start3A_207 : memref<1x128xi32, #tpu.memory_space<vmem>> -> memref<128xi32, #tpu.memory_space<vmem>>
      %dma_start3A_209 = arith.constant 0 : i32
      %dma_start3A_210 = arith.constant 0 : i32
      %dma_start3A_211 = tpu.memref_slice %arg3[%dma_start3A_209, %dma_start3A_210] : memref<100000x128xf32, #tpu.memory_space<hbm>> -> memref<100000x128xf32, #tpu.memory_space<hbm>>
      tpu.enqueue_indirect_dma source(%dma_start3A_211 : memref<100000x128xf32, #tpu.memory_space<hbm>>) target(%dma_start3A_205 : memref<128x128xf32, #tpu.memory_space<vmem>>) offsets(%dma_start3A_208 : memref<128xi32, #tpu.memory_space<vmem>>) semaphore(%arg9 : memref<!tpu.dma_semaphore, #tpu.memory_space<semaphore_mem>>)
      %sub3A = arith.constant 2 : i32
      %sub3A_212 = arith.subi %add3A_195, %sub3A : i32
      %dma_wait3A_213 = arith.constant 0 : i32
      %dma_wait3A_214 = arith.constant 0 : i32
      %dma_wait3A_215 = arith.constant 0 : i32
      %dma_wait3A_216 = tpu.memref_slice %arg6[%dma_wait3A_213, %dma_wait3A_214, %dma_wait3A_215] : memref<4x128x128xf32, #tpu.memory_space<vmem>> -> memref<1x128x128xf32, #tpu.memory_space<vmem>>
      %dma_wait3A_217 = tpu.memref_squeeze %dma_wait3A_216 : memref<1x128x128xf32, #tpu.memory_space<vmem>> -> memref<128x128xf32, #tpu.memory_space<vmem>>
      %dma_wait3A_218 = arith.constant 0 : i32
      %dma_wait3A_219 = tpu.memref_slice %arg5[%sub3A_212, %dma_wait3A_218] : memref<200x128xi32, #tpu.memory_space<vmem>> -> memref<1x128xi32, #tpu.memory_space<vmem>>
      %dma_wait3A_220 = tpu.memref_squeeze %dma_wait3A_219 : memref<1x128xi32, #tpu.memory_space<vmem>> -> memref<128xi32, #tpu.memory_space<vmem>>
      %dma_wait3A_221 = arith.constant 0 : i32
      %dma_wait3A_222 = arith.constant 0 : i32
      %dma_wait3A_223 = tpu.memref_slice %arg3[%dma_wait3A_221, %dma_wait3A_222] : memref<100000x128xf32, #tpu.memory_space<hbm>> -> memref<100000x128xf32, #tpu.memory_space<hbm>>
      tpu.wait_indirect_dma semaphore(%arg7 : memref<!tpu.dma_semaphore, #tpu.memory_space<semaphore_mem>>) src(%dma_wait3A_223 : memref<100000x128xf32, #tpu.memory_space<hbm>>) dst(%dma_wait3A_217 : memref<128x128xf32, #tpu.memory_space<vmem>>)
      %sub3A_224 = arith.constant 2 : i32
      %sub3A_225 = arith.subi %add3A_195, %sub3A_224 : i32
      %add3A_226 = arith.addi %mul3A_2, %sub3A_225 : i32
      %dma_start3A_227 = arith.constant 0 : i32
      %dma_start3A_228 = arith.constant 0 : i32
      %dma_start3A_229 = arith.constant 0 : i32
      %dma_start3A_230 = tpu.memref_slice %arg6[%dma_start3A_227, %dma_start3A_228, %dma_start3A_229] : memref<4x128x128xf32, #tpu.memory_space<vmem>> -> memref<1x128x128xf32, #tpu.memory_space<vmem>>
      %dma_start3A_231 = tpu.memref_squeeze %dma_start3A_230 : memref<1x128x128xf32, #tpu.memory_space<vmem>> -> memref<128x128xf32, #tpu.memory_space<vmem>>
      %dma_start3A_232 = arith.constant 0 : i32
      %dma_start3A_233 = arith.constant 0 : i32
      %dma_start3A_234 = tpu.memref_slice %arg4[%add3A_226, %dma_start3A_232, %dma_start3A_233] : memref<6400x128x128xf32, #tpu.memory_space<hbm>> -> memref<1x128x128xf32, #tpu.memory_space<hbm>>
      %dma_start3A_235 = tpu.memref_squeeze %dma_start3A_234 : memref<1x128x128xf32, #tpu.memory_space<hbm>> -> memref<128x128xf32, #tpu.memory_space<hbm>>
      %dma_start3A_236 = arith.constant 0 : i32
      %dma_start3A_237 = arith.constant 0 : i32
      %dma_start3A_238 = tpu.memref_slice %arg4[%add3A_226, %dma_start3A_236, %dma_start3A_237] : memref<6400x128x128xf32, #tpu.memory_space<hbm>> -> memref<1x128x128xf32, #tpu.memory_space<hbm>>
      %dma_start3A_239 = tpu.memref_squeeze %dma_start3A_238 : memref<1x128x128xf32, #tpu.memory_space<hbm>> -> memref<128x128xf32, #tpu.memory_space<hbm>>
      %dma_start3A_240 = arith.constant 0 : i32
      %dma_start3A_241 = arith.constant 0 : i32
      %dma_start3A_242 = tpu.memref_slice %arg6[%dma_start3A_227, %dma_start3A_240, %dma_start3A_241] : memref<4x128x128xf32, #tpu.memory_space<vmem>> -> memref<1x128x128xf32, #tpu.memory_space<vmem>>
      %dma_start3A_243 = tpu.memref_squeeze %dma_start3A_242 : memref<1x128x128xf32, #tpu.memory_space<vmem>> -> memref<128x128xf32, #tpu.memory_space<vmem>>
      tpu.enqueue_dma source(%dma_start3A_243 : memref<128x128xf32, #tpu.memory_space<vmem>>) target(%dma_start3A_239 : memref<128x128xf32, #tpu.memory_space<hbm>>) target_semaphore(%arg11 : memref<!tpu.dma_semaphore, #tpu.memory_space<semaphore_mem>>)
      %mul3A_244 = arith.constant 4 : i32
      %mul3A_245 = arith.muli %mul3A_244, %scan3A_144 : i32
      %add3A_246 = arith.constant 3 : i32
      %add3A_247 = arith.addi %mul3A_245, %add3A_246 : i32
      %ge3A_248 = arith.constant 1 : i32
      %ge3A_249 = arith.cmpi sge, %scan3A_144, %ge3A_248 : i32
      %convert_element_type3A_250 = arith.extui %ge3A_249 : i1 to i32
      %cond3A_251 = arith.constant 0 : i32
      %cond3A_252 = arith.cmpi ne, %convert_element_type3A_250, %cond3A_251 : i32
      scf.if %cond3A_252 {
        %sub3A_297 = arith.constant 4 : i32
        %sub3A_298 = arith.subi %add3A_247, %sub3A_297 : i32
        %add3A_299 = arith.addi %mul3A_2, %sub3A_298 : i32
        %dma_wait3A_300 = arith.constant 3 : i32
        %dma_wait3A_301 = arith.constant 0 : i32
        %dma_wait3A_302 = arith.constant 0 : i32
        %dma_wait3A_303 = tpu.memref_slice %arg6[%dma_wait3A_300, %dma_wait3A_301, %dma_wait3A_302] : memref<4x128x128xf32, #tpu.memory_space<vmem>> -> memref<1x128x128xf32, #tpu.memory_space<vmem>>
        %dma_wait3A_304 = tpu.memref_squeeze %dma_wait3A_303 : memref<1x128x128xf32, #tpu.memory_space<vmem>> -> memref<128x128xf32, #tpu.memory_space<vmem>>
        %dma_wait3A_305 = arith.constant 0 : i32
        %dma_wait3A_306 = arith.constant 0 : i32
        %dma_wait3A_307 = tpu.memref_slice %arg4[%add3A_299, %dma_wait3A_305, %dma_wait3A_306] : memref<6400x128x128xf32, #tpu.memory_space<hbm>> -> memref<1x128x128xf32, #tpu.memory_space<hbm>>
        %dma_wait3A_308 = tpu.memref_squeeze %dma_wait3A_307 : memref<1x128x128xf32, #tpu.memory_space<hbm>> -> memref<128x128xf32, #tpu.memory_space<hbm>>
        %dma_wait3A_309 = arith.constant 0 : i32
        %dma_wait3A_310 = arith.constant 0 : i32
        %dma_wait3A_311 = tpu.memref_slice %arg4[%add3A_299, %dma_wait3A_309, %dma_wait3A_310] : memref<6400x128x128xf32, #tpu.memory_space<hbm>> -> memref<1x128x128xf32, #tpu.memory_space<hbm>>
        %dma_wait3A_312 = tpu.memref_squeeze %dma_wait3A_311 : memref<1x128x128xf32, #tpu.memory_space<hbm>> -> memref<128x128xf32, #tpu.memory_space<hbm>>
        %dma_wait3A_313 = arith.constant 0 : i32
        %dma_wait3A_314 = arith.constant 0 : i32
        %dma_wait3A_315 = tpu.memref_slice %arg6[%dma_wait3A_300, %dma_wait3A_313, %dma_wait3A_314] : memref<4x128x128xf32, #tpu.memory_space<vmem>> -> memref<1x128x128xf32, #tpu.memory_space<vmem>>
        %dma_wait3A_316 = tpu.memref_squeeze %dma_wait3A_315 : memref<1x128x128xf32, #tpu.memory_space<vmem>> -> memref<128x128xf32, #tpu.memory_space<vmem>>
        tpu.wait_dma2 semaphore(%arg14 : memref<!tpu.dma_semaphore, #tpu.memory_space<semaphore_mem>>) src(%dma_wait3A_316 : memref<128x128xf32, #tpu.memory_space<vmem>>) dst(%dma_wait3A_312 : memref<128x128xf32, #tpu.memory_space<hbm>>)
      } else {
      }
      %dma_start3A_253 = arith.constant 3 : i32
      %dma_start3A_254 = arith.constant 0 : i32
      %dma_start3A_255 = arith.constant 0 : i32
      %dma_start3A_256 = tpu.memref_slice %arg6[%dma_start3A_253, %dma_start3A_254, %dma_start3A_255] : memref<4x128x128xf32, #tpu.memory_space<vmem>> -> memref<1x128x128xf32, #tpu.memory_space<vmem>>
      %dma_start3A_257 = tpu.memref_squeeze %dma_start3A_256 : memref<1x128x128xf32, #tpu.memory_space<vmem>> -> memref<128x128xf32, #tpu.memory_space<vmem>>
      %dma_start3A_258 = arith.constant 0 : i32
      %dma_start3A_259 = tpu.memref_slice %arg5[%add3A_247, %dma_start3A_258] : memref<200x128xi32, #tpu.memory_space<vmem>> -> memref<1x128xi32, #tpu.memory_space<vmem>>
      %dma_start3A_260 = tpu.memref_squeeze %dma_start3A_259 : memref<1x128xi32, #tpu.memory_space<vmem>> -> memref<128xi32, #tpu.memory_space<vmem>>
      %dma_start3A_261 = arith.constant 0 : i32
      %dma_start3A_262 = arith.constant 0 : i32
      %dma_start3A_263 = tpu.memref_slice %arg3[%dma_start3A_261, %dma_start3A_262] : memref<100000x128xf32, #tpu.memory_space<hbm>> -> memref<100000x128xf32, #tpu.memory_space<hbm>>
      tpu.enqueue_indirect_dma source(%dma_start3A_263 : memref<100000x128xf32, #tpu.memory_space<hbm>>) target(%dma_start3A_257 : memref<128x128xf32, #tpu.memory_space<vmem>>) offsets(%dma_start3A_260 : memref<128xi32, #tpu.memory_space<vmem>>) semaphore(%arg10 : memref<!tpu.dma_semaphore, #tpu.memory_space<semaphore_mem>>)
      %sub3A_264 = arith.constant 2 : i32
      %sub3A_265 = arith.subi %add3A_247, %sub3A_264 : i32
      %dma_wait3A_266 = arith.constant 1 : i32
      %dma_wait3A_267 = arith.constant 0 : i32
      %dma_wait3A_268 = arith.constant 0 : i32
      %dma_wait3A_269 = tpu.memref_slice %arg6[%dma_wait3A_266, %dma_wait3A_267, %dma_wait3A_268] : memref<4x128x128xf32, #tpu.memory_space<vmem>> -> memref<1x128x128xf32, #tpu.memory_space<vmem>>
      %dma_wait3A_270 = tpu.memref_squeeze %dma_wait3A_269 : memref<1x128x128xf32, #tpu.memory_space<vmem>> -> memref<128x128xf32, #tpu.memory_space<vmem>>
      %dma_wait3A_271 = arith.constant 0 : i32
      %dma_wait3A_272 = tpu.memref_slice %arg5[%sub3A_265, %dma_wait3A_271] : memref<200x128xi32, #tpu.memory_space<vmem>> -> memref<1x128xi32, #tpu.memory_space<vmem>>
      %dma_wait3A_273 = tpu.memref_squeeze %dma_wait3A_272 : memref<1x128xi32, #tpu.memory_space<vmem>> -> memref<128xi32, #tpu.memory_space<vmem>>
      %dma_wait3A_274 = arith.constant 0 : i32
      %dma_wait3A_275 = arith.constant 0 : i32
      %dma_wait3A_276 = tpu.memref_slice %arg3[%dma_wait3A_274, %dma_wait3A_275] : memref<100000x128xf32, #tpu.memory_space<hbm>> -> memref<100000x128xf32, #tpu.memory_space<hbm>>
      tpu.wait_indirect_dma semaphore(%arg8 : memref<!tpu.dma_semaphore, #tpu.memory_space<semaphore_mem>>) src(%dma_wait3A_276 : memref<100000x128xf32, #tpu.memory_space<hbm>>) dst(%dma_wait3A_270 : memref<128x128xf32, #tpu.memory_space<vmem>>)
      %sub3A_277 = arith.constant 2 : i32
      %sub3A_278 = arith.subi %add3A_247, %sub3A_277 : i32
      %add3A_279 = arith.addi %mul3A_2, %sub3A_278 : i32
      %dma_start3A_280 = arith.constant 1 : i32
      %dma_start3A_281 = arith.constant 0 : i32
      %dma_start3A_282 = arith.constant 0 : i32
      %dma_start3A_283 = tpu.memref_slice %arg6[%dma_start3A_280, %dma_start3A_281, %dma_start3A_282] : memref<4x128x128xf32, #tpu.memory_space<vmem>> -> memref<1x128x128xf32, #tpu.memory_space<vmem>>
      %dma_start3A_284 = tpu.memref_squeeze %dma_start3A_283 : memref<1x128x128xf32, #tpu.memory_space<vmem>> -> memref<128x128xf32, #tpu.memory_space<vmem>>
      %dma_start3A_285 = arith.constant 0 : i32
      %dma_start3A_286 = arith.constant 0 : i32
      %dma_start3A_287 = tpu.memref_slice %arg4[%add3A_279, %dma_start3A_285, %dma_start3A_286] : memref<6400x128x128xf32, #tpu.memory_space<hbm>> -> memref<1x128x128xf32, #tpu.memory_space<hbm>>
      %dma_start3A_288 = tpu.memref_squeeze %dma_start3A_287 : memref<1x128x128xf32, #tpu.memory_space<hbm>> -> memref<128x128xf32, #tpu.memory_space<hbm>>
      %dma_start3A_289 = arith.constant 0 : i32
      %dma_start3A_290 = arith.constant 0 : i32
      %dma_start3A_291 = tpu.memref_slice %arg4[%add3A_279, %dma_start3A_289, %dma_start3A_290] : memref<6400x128x128xf32, #tpu.memory_space<hbm>> -> memref<1x128x128xf32, #tpu.memory_space<hbm>>
      %dma_start3A_292 = tpu.memref_squeeze %dma_start3A_291 : memref<1x128x128xf32, #tpu.memory_space<hbm>> -> memref<128x128xf32, #tpu.memory_space<hbm>>
      %dma_start3A_293 = arith.constant 0 : i32
      %dma_start3A_294 = arith.constant 0 : i32
      %dma_start3A_295 = tpu.memref_slice %arg6[%dma_start3A_280, %dma_start3A_293, %dma_start3A_294] : memref<4x128x128xf32, #tpu.memory_space<vmem>> -> memref<1x128x128xf32, #tpu.memory_space<vmem>>
      %dma_start3A_296 = tpu.memref_squeeze %dma_start3A_295 : memref<1x128x128xf32, #tpu.memory_space<vmem>> -> memref<128x128xf32, #tpu.memory_space<vmem>>
      tpu.enqueue_dma source(%dma_start3A_296 : memref<128x128xf32, #tpu.memory_space<vmem>>) target(%dma_start3A_292 : memref<128x128xf32, #tpu.memory_space<hbm>>) target_semaphore(%arg12 : memref<!tpu.dma_semaphore, #tpu.memory_space<semaphore_mem>>)
    }
    %scan3A_7 = arith.constant 50 : i32
    %dma_wait3A = arith.constant 198 : i32
    %dma_wait3A_8 = arith.constant 2 : i32
    %dma_wait3A_9 = arith.constant 0 : i32
    %dma_wait3A_10 = arith.constant 0 : i32
    %dma_wait3A_11 = tpu.memref_slice %arg6[%dma_wait3A_8, %dma_wait3A_9, %dma_wait3A_10] : memref<4x128x128xf32, #tpu.memory_space<vmem>> -> memref<1x128x128xf32, #tpu.memory_space<vmem>>
    %dma_wait3A_12 = tpu.memref_squeeze %dma_wait3A_11 : memref<1x128x128xf32, #tpu.memory_space<vmem>> -> memref<128x128xf32, #tpu.memory_space<vmem>>
    %dma_wait3A_13 = arith.constant 0 : i32
    %dma_wait3A_14 = tpu.memref_slice %arg5[%dma_wait3A, %dma_wait3A_13] : memref<200x128xi32, #tpu.memory_space<vmem>> -> memref<1x128xi32, #tpu.memory_space<vmem>>
    %dma_wait3A_15 = tpu.memref_squeeze %dma_wait3A_14 : memref<1x128xi32, #tpu.memory_space<vmem>> -> memref<128xi32, #tpu.memory_space<vmem>>
    %dma_wait3A_16 = arith.constant 0 : i32
    %dma_wait3A_17 = arith.constant 0 : i32
    %dma_wait3A_18 = tpu.memref_slice %arg3[%dma_wait3A_16, %dma_wait3A_17] : memref<100000x128xf32, #tpu.memory_space<hbm>> -> memref<100000x128xf32, #tpu.memory_space<hbm>>
    tpu.wait_indirect_dma semaphore(%arg9 : memref<!tpu.dma_semaphore, #tpu.memory_space<semaphore_mem>>) src(%dma_wait3A_18 : memref<100000x128xf32, #tpu.memory_space<hbm>>) dst(%dma_wait3A_12 : memref<128x128xf32, #tpu.memory_space<vmem>>)
    %add3A_19 = arith.constant 198 : i32
    %add3A_20 = arith.addi %mul3A_2, %add3A_19 : i32
    %dma_start3A = arith.constant 2 : i32
    %dma_start3A_21 = arith.constant 0 : i32
    %dma_start3A_22 = arith.constant 0 : i32
    %dma_start3A_23 = tpu.memref_slice %arg6[%dma_start3A, %dma_start3A_21, %dma_start3A_22] : memref<4x128x128xf32, #tpu.memory_space<vmem>> -> memref<1x128x128xf32, #tpu.memory_space<vmem>>
    %dma_start3A_24 = tpu.memref_squeeze %dma_start3A_23 : memref<1x128x128xf32, #tpu.memory_space<vmem>> -> memref<128x128xf32, #tpu.memory_space<vmem>>
    %dma_start3A_25 = arith.constant 0 : i32
    %dma_start3A_26 = arith.constant 0 : i32
    %dma_start3A_27 = tpu.memref_slice %arg4[%add3A_20, %dma_start3A_25, %dma_start3A_26] : memref<6400x128x128xf32, #tpu.memory_space<hbm>> -> memref<1x128x128xf32, #tpu.memory_space<hbm>>
    %dma_start3A_28 = tpu.memref_squeeze %dma_start3A_27 : memref<1x128x128xf32, #tpu.memory_space<hbm>> -> memref<128x128xf32, #tpu.memory_space<hbm>>
    %dma_start3A_29 = arith.constant 0 : i32
    %dma_start3A_30 = arith.constant 0 : i32
    %dma_start3A_31 = tpu.memref_slice %arg4[%add3A_20, %dma_start3A_29, %dma_start3A_30] : memref<6400x128x128xf32, #tpu.memory_space<hbm>> -> memref<1x128x128xf32, #tpu.memory_space<hbm>>
    %dma_start3A_32 = tpu.memref_squeeze %dma_start3A_31 : memref<1x128x128xf32, #tpu.memory_space<hbm>> -> memref<128x128xf32, #tpu.memory_space<hbm>>
    %dma_start3A_33 = arith.constant 0 : i32
    %dma_start3A_34 = arith.constant 0 : i32
    %dma_start3A_35 = tpu.memref_slice %arg6[%dma_start3A, %dma_start3A_33, %dma_start3A_34] : memref<4x128x128xf32, #tpu.memory_space<vmem>> -> memref<1x128x128xf32, #tpu.memory_space<vmem>>
    %dma_start3A_36 = tpu.memref_squeeze %dma_start3A_35 : memref<1x128x128xf32, #tpu.memory_space<vmem>> -> memref<128x128xf32, #tpu.memory_space<vmem>>
    tpu.enqueue_dma source(%dma_start3A_36 : memref<128x128xf32, #tpu.memory_space<vmem>>) target(%dma_start3A_32 : memref<128x128xf32, #tpu.memory_space<hbm>>) target_semaphore(%arg13 : memref<!tpu.dma_semaphore, #tpu.memory_space<semaphore_mem>>)
    %dma_wait3A_37 = arith.constant 199 : i32
    %dma_wait3A_38 = arith.constant 3 : i32
    %dma_wait3A_39 = arith.constant 0 : i32
    %dma_wait3A_40 = arith.constant 0 : i32
    %dma_wait3A_41 = tpu.memref_slice %arg6[%dma_wait3A_38, %dma_wait3A_39, %dma_wait3A_40] : memref<4x128x128xf32, #tpu.memory_space<vmem>> -> memref<1x128x128xf32, #tpu.memory_space<vmem>>
    %dma_wait3A_42 = tpu.memref_squeeze %dma_wait3A_41 : memref<1x128x128xf32, #tpu.memory_space<vmem>> -> memref<128x128xf32, #tpu.memory_space<vmem>>
    %dma_wait3A_43 = arith.constant 0 : i32
    %dma_wait3A_44 = tpu.memref_slice %arg5[%dma_wait3A_37, %dma_wait3A_43] : memref<200x128xi32, #tpu.memory_space<vmem>> -> memref<1x128xi32, #tpu.memory_space<vmem>>
    %dma_wait3A_45 = tpu.memref_squeeze %dma_wait3A_44 : memref<1x128xi32, #tpu.memory_space<vmem>> -> memref<128xi32, #tpu.memory_space<vmem>>
    %dma_wait3A_46 = arith.constant 0 : i32
    %dma_wait3A_47 = arith.constant 0 : i32
    %dma_wait3A_48 = tpu.memref_slice %arg3[%dma_wait3A_46, %dma_wait3A_47] : memref<100000x128xf32, #tpu.memory_space<hbm>> -> memref<100000x128xf32, #tpu.memory_space<hbm>>
    tpu.wait_indirect_dma semaphore(%arg10 : memref<!tpu.dma_semaphore, #tpu.memory_space<semaphore_mem>>) src(%dma_wait3A_48 : memref<100000x128xf32, #tpu.memory_space<hbm>>) dst(%dma_wait3A_42 : memref<128x128xf32, #tpu.memory_space<vmem>>)
    %add3A_49 = arith.constant 199 : i32
    %add3A_50 = arith.addi %mul3A_2, %add3A_49 : i32
    %dma_start3A_51 = arith.constant 3 : i32
    %dma_start3A_52 = arith.constant 0 : i32
    %dma_start3A_53 = arith.constant 0 : i32
    %dma_start3A_54 = tpu.memref_slice %arg6[%dma_start3A_51, %dma_start3A_52, %dma_start3A_53] : memref<4x128x128xf32, #tpu.memory_space<vmem>> -> memref<1x128x128xf32, #tpu.memory_space<vmem>>
    %dma_start3A_55 = tpu.memref_squeeze %dma_start3A_54 : memref<1x128x128xf32, #tpu.memory_space<vmem>> -> memref<128x128xf32, #tpu.memory_space<vmem>>
    %dma_start3A_56 = arith.constant 0 : i32
    %dma_start3A_57 = arith.constant 0 : i32
    %dma_start3A_58 = tpu.memref_slice %arg4[%add3A_50, %dma_start3A_56, %dma_start3A_57] : memref<6400x128x128xf32, #tpu.memory_space<hbm>> -> memref<1x128x128xf32, #tpu.memory_space<hbm>>
    %dma_start3A_59 = tpu.memref_squeeze %dma_start3A_58 : memref<1x128x128xf32, #tpu.memory_space<hbm>> -> memref<128x128xf32, #tpu.memory_space<hbm>>
    %dma_start3A_60 = arith.constant 0 : i32
    %dma_start3A_61 = arith.constant 0 : i32
    %dma_start3A_62 = tpu.memref_slice %arg4[%add3A_50, %dma_start3A_60, %dma_start3A_61] : memref<6400x128x128xf32, #tpu.memory_space<hbm>> -> memref<1x128x128xf32, #tpu.memory_space<hbm>>
    %dma_start3A_63 = tpu.memref_squeeze %dma_start3A_62 : memref<1x128x128xf32, #tpu.memory_space<hbm>> -> memref<128x128xf32, #tpu.memory_space<hbm>>
    %dma_start3A_64 = arith.constant 0 : i32
    %dma_start3A_65 = arith.constant 0 : i32
    %dma_start3A_66 = tpu.memref_slice %arg6[%dma_start3A_51, %dma_start3A_64, %dma_start3A_65] : memref<4x128x128xf32, #tpu.memory_space<vmem>> -> memref<1x128x128xf32, #tpu.memory_space<vmem>>
    %dma_start3A_67 = tpu.memref_squeeze %dma_start3A_66 : memref<1x128x128xf32, #tpu.memory_space<vmem>> -> memref<128x128xf32, #tpu.memory_space<vmem>>
    tpu.enqueue_dma source(%dma_start3A_67 : memref<128x128xf32, #tpu.memory_space<vmem>>) target(%dma_start3A_63 : memref<128x128xf32, #tpu.memory_space<hbm>>) target_semaphore(%arg14 : memref<!tpu.dma_semaphore, #tpu.memory_space<semaphore_mem>>)
    %add3A_68 = arith.constant 196 : i32
    %add3A_69 = arith.addi %mul3A_2, %add3A_68 : i32
    %dma_wait3A_70 = arith.constant 0 : i32
    %dma_wait3A_71 = arith.constant 0 : i32
    %dma_wait3A_72 = arith.constant 0 : i32
    %dma_wait3A_73 = tpu.memref_slice %arg6[%dma_wait3A_70, %dma_wait3A_71, %dma_wait3A_72] : memref<4x128x128xf32, #tpu.memory_space<vmem>> -> memref<1x128x128xf32, #tpu.memory_space<vmem>>
    %dma_wait3A_74 = tpu.memref_squeeze %dma_wait3A_73 : memref<1x128x128xf32, #tpu.memory_space<vmem>> -> memref<128x128xf32, #tpu.memory_space<vmem>>
    %dma_wait3A_75 = arith.constant 0 : i32
    %dma_wait3A_76 = arith.constant 0 : i32
    %dma_wait3A_77 = tpu.memref_slice %arg4[%add3A_69, %dma_wait3A_75, %dma_wait3A_76] : memref<6400x128x128xf32, #tpu.memory_space<hbm>> -> memref<1x128x128xf32, #tpu.memory_space<hbm>>
    %dma_wait3A_78 = tpu.memref_squeeze %dma_wait3A_77 : memref<1x128x128xf32, #tpu.memory_space<hbm>> -> memref<128x128xf32, #tpu.memory_space<hbm>>
    %dma_wait3A_79 = arith.constant 0 : i32
    %dma_wait3A_80 = arith.constant 0 : i32
    %dma_wait3A_81 = tpu.memref_slice %arg4[%add3A_69, %dma_wait3A_79, %dma_wait3A_80] : memref<6400x128x128xf32, #tpu.memory_space<hbm>> -> memref<1x128x128xf32, #tpu.memory_space<hbm>>
    %dma_wait3A_82 = tpu.memref_squeeze %dma_wait3A_81 : memref<1x128x128xf32, #tpu.memory_space<hbm>> -> memref<128x128xf32, #tpu.memory_space<hbm>>
    %dma_wait3A_83 = arith.constant 0 : i32
    %dma_wait3A_84 = arith.constant 0 : i32
    %dma_wait3A_85 = tpu.memref_slice %arg6[%dma_wait3A_70, %dma_wait3A_83, %dma_wait3A_84] : memref<4x128x128xf32, #tpu.memory_space<vmem>> -> memref<1x128x128xf32, #tpu.memory_space<vmem>>
    %dma_wait3A_86 = tpu.memref_squeeze %dma_wait3A_85 : memref<1x128x128xf32, #tpu.memory_space<vmem>> -> memref<128x128xf32, #tpu.memory_space<vmem>>
    tpu.wait_dma2 semaphore(%arg11 : memref<!tpu.dma_semaphore, #tpu.memory_space<semaphore_mem>>) src(%dma_wait3A_86 : memref<128x128xf32, #tpu.memory_space<vmem>>) dst(%dma_wait3A_82 : memref<128x128xf32, #tpu.memory_space<hbm>>)
    %add3A_87 = arith.constant 197 : i32
    %add3A_88 = arith.addi %mul3A_2, %add3A_87 : i32
    %dma_wait3A_89 = arith.constant 1 : i32
    %dma_wait3A_90 = arith.constant 0 : i32
    %dma_wait3A_91 = arith.constant 0 : i32
    %dma_wait3A_92 = tpu.memref_slice %arg6[%dma_wait3A_89, %dma_wait3A_90, %dma_wait3A_91] : memref<4x128x128xf32, #tpu.memory_space<vmem>> -> memref<1x128x128xf32, #tpu.memory_space<vmem>>
    %dma_wait3A_93 = tpu.memref_squeeze %dma_wait3A_92 : memref<1x128x128xf32, #tpu.memory_space<vmem>> -> memref<128x128xf32, #tpu.memory_space<vmem>>
    %dma_wait3A_94 = arith.constant 0 : i32
    %dma_wait3A_95 = arith.constant 0 : i32
    %dma_wait3A_96 = tpu.memref_slice %arg4[%add3A_88, %dma_wait3A_94, %dma_wait3A_95] : memref<6400x128x128xf32, #tpu.memory_space<hbm>> -> memref<1x128x128xf32, #tpu.memory_space<hbm>>
    %dma_wait3A_97 = tpu.memref_squeeze %dma_wait3A_96 : memref<1x128x128xf32, #tpu.memory_space<hbm>> -> memref<128x128xf32, #tpu.memory_space<hbm>>
    %dma_wait3A_98 = arith.constant 0 : i32
    %dma_wait3A_99 = arith.constant 0 : i32
    %dma_wait3A_100 = tpu.memref_slice %arg4[%add3A_88, %dma_wait3A_98, %dma_wait3A_99] : memref<6400x128x128xf32, #tpu.memory_space<hbm>> -> memref<1x128x128xf32, #tpu.memory_space<hbm>>
    %dma_wait3A_101 = tpu.memref_squeeze %dma_wait3A_100 : memref<1x128x128xf32, #tpu.memory_space<hbm>> -> memref<128x128xf32, #tpu.memory_space<hbm>>
    %dma_wait3A_102 = arith.constant 0 : i32
    %dma_wait3A_103 = arith.constant 0 : i32
    %dma_wait3A_104 = tpu.memref_slice %arg6[%dma_wait3A_89, %dma_wait3A_102, %dma_wait3A_103] : memref<4x128x128xf32, #tpu.memory_space<vmem>> -> memref<1x128x128xf32, #tpu.memory_space<vmem>>
    %dma_wait3A_105 = tpu.memref_squeeze %dma_wait3A_104 : memref<1x128x128xf32, #tpu.memory_space<vmem>> -> memref<128x128xf32, #tpu.memory_space<vmem>>
    tpu.wait_dma2 semaphore(%arg12 : memref<!tpu.dma_semaphore, #tpu.memory_space<semaphore_mem>>) src(%dma_wait3A_105 : memref<128x128xf32, #tpu.memory_space<vmem>>) dst(%dma_wait3A_101 : memref<128x128xf32, #tpu.memory_space<hbm>>)
    %add3A_106 = arith.constant 198 : i32
    %add3A_107 = arith.addi %mul3A_2, %add3A_106 : i32
    %dma_wait3A_108 = arith.constant 2 : i32
    %dma_wait3A_109 = arith.constant 0 : i32
    %dma_wait3A_110 = arith.constant 0 : i32
    %dma_wait3A_111 = tpu.memref_slice %arg6[%dma_wait3A_108, %dma_wait3A_109, %dma_wait3A_110] : memref<4x128x128xf32, #tpu.memory_space<vmem>> -> memref<1x128x128xf32, #tpu.memory_space<vmem>>
    %dma_wait3A_112 = tpu.memref_squeeze %dma_wait3A_111 : memref<1x128x128xf32, #tpu.memory_space<vmem>> -> memref<128x128xf32, #tpu.memory_space<vmem>>
    %dma_wait3A_113 = arith.constant 0 : i32
    %dma_wait3A_114 = arith.constant 0 : i32
    %dma_wait3A_115 = tpu.memref_slice %arg4[%add3A_107, %dma_wait3A_113, %dma_wait3A_114] : memref<6400x128x128xf32, #tpu.memory_space<hbm>> -> memref<1x128x128xf32, #tpu.memory_space<hbm>>
    %dma_wait3A_116 = tpu.memref_squeeze %dma_wait3A_115 : memref<1x128x128xf32, #tpu.memory_space<hbm>> -> memref<128x128xf32, #tpu.memory_space<hbm>>
    %dma_wait3A_117 = arith.constant 0 : i32
    %dma_wait3A_118 = arith.constant 0 : i32
    %dma_wait3A_119 = tpu.memref_slice %arg4[%add3A_107, %dma_wait3A_117, %dma_wait3A_118] : memref<6400x128x128xf32, #tpu.memory_space<hbm>> -> memref<1x128x128xf32, #tpu.memory_space<hbm>>
    %dma_wait3A_120 = tpu.memref_squeeze %dma_wait3A_119 : memref<1x128x128xf32, #tpu.memory_space<hbm>> -> memref<128x128xf32, #tpu.memory_space<hbm>>
    %dma_wait3A_121 = arith.constant 0 : i32
    %dma_wait3A_122 = arith.constant 0 : i32
    %dma_wait3A_123 = tpu.memref_slice %arg6[%dma_wait3A_108, %dma_wait3A_121, %dma_wait3A_122] : memref<4x128x128xf32, #tpu.memory_space<vmem>> -> memref<1x128x128xf32, #tpu.memory_space<vmem>>
    %dma_wait3A_124 = tpu.memref_squeeze %dma_wait3A_123 : memref<1x128x128xf32, #tpu.memory_space<vmem>> -> memref<128x128xf32, #tpu.memory_space<vmem>>
    tpu.wait_dma2 semaphore(%arg13 : memref<!tpu.dma_semaphore, #tpu.memory_space<semaphore_mem>>) src(%dma_wait3A_124 : memref<128x128xf32, #tpu.memory_space<vmem>>) dst(%dma_wait3A_120 : memref<128x128xf32, #tpu.memory_space<hbm>>)
    %add3A_125 = arith.constant 199 : i32
    %add3A_126 = arith.addi %mul3A_2, %add3A_125 : i32
    %dma_wait3A_127 = arith.constant 3 : i32
    %dma_wait3A_128 = arith.constant 0 : i32
    %dma_wait3A_129 = arith.constant 0 : i32
    %dma_wait3A_130 = tpu.memref_slice %arg6[%dma_wait3A_127, %dma_wait3A_128, %dma_wait3A_129] : memref<4x128x128xf32, #tpu.memory_space<vmem>> -> memref<1x128x128xf32, #tpu.memory_space<vmem>>
    %dma_wait3A_131 = tpu.memref_squeeze %dma_wait3A_130 : memref<1x128x128xf32, #tpu.memory_space<vmem>> -> memref<128x128xf32, #tpu.memory_space<vmem>>
    %dma_wait3A_132 = arith.constant 0 : i32
    %dma_wait3A_133 = arith.constant 0 : i32
    %dma_wait3A_134 = tpu.memref_slice %arg4[%add3A_126, %dma_wait3A_132, %dma_wait3A_133] : memref<6400x128x128xf32, #tpu.memory_space<hbm>> -> memref<1x128x128xf32, #tpu.memory_space<hbm>>
    %dma_wait3A_135 = tpu.memref_squeeze %dma_wait3A_134 : memref<1x128x128xf32, #tpu.memory_space<hbm>> -> memref<128x128xf32, #tpu.memory_space<hbm>>
    %dma_wait3A_136 = arith.constant 0 : i32
    %dma_wait3A_137 = arith.constant 0 : i32
    %dma_wait3A_138 = tpu.memref_slice %arg4[%add3A_126, %dma_wait3A_136, %dma_wait3A_137] : memref<6400x128x128xf32, #tpu.memory_space<hbm>> -> memref<1x128x128xf32, #tpu.memory_space<hbm>>
    %dma_wait3A_139 = tpu.memref_squeeze %dma_wait3A_138 : memref<1x128x128xf32, #tpu.memory_space<hbm>> -> memref<128x128xf32, #tpu.memory_space<hbm>>
    %dma_wait3A_140 = arith.constant 0 : i32
    %dma_wait3A_141 = arith.constant 0 : i32
    %dma_wait3A_142 = tpu.memref_slice %arg6[%dma_wait3A_127, %dma_wait3A_140, %dma_wait3A_141] : memref<4x128x128xf32, #tpu.memory_space<vmem>> -> memref<1x128x128xf32, #tpu.memory_space<vmem>>
    %dma_wait3A_143 = tpu.memref_squeeze %dma_wait3A_142 : memref<1x128x128xf32, #tpu.memory_space<vmem>> -> memref<128x128xf32, #tpu.memory_space<vmem>>
    tpu.wait_dma2 semaphore(%arg14 : memref<!tpu.dma_semaphore, #tpu.memory_space<semaphore_mem>>) src(%dma_wait3A_143 : memref<128x128xf32, #tpu.memory_space<vmem>>) dst(%dma_wait3A_139 : memref<128x128xf32, #tpu.memory_space<hbm>>)
    return
  }
}

</mosaic_0001>

<sc_bundles>
// kernel: kernel.3.cloned.1.call-start
scs
__scs_entry_jumppad:
0x0: {  	(pc) =	sbr.rel $0x88, $3  }
0x1: {  	(tag) =	ssettag $0x0;
	lr =	simm.s32 $0x1  }
0x2: {  	[smem:$0x3F9F] =	sst lr;
	_ =	strace $0xD0000000  }
0x3: {  	_ = 	snop  }
0x4: {  	_ = 	snop  }
0x5: {  	_ = 	snop  }
0x6: {  	_ = 	snop  }
0x7: {  	_ = 	snop  }
__scs_overlays_trampoline_lowered:
0x8: {  	[smem:$0x3FAE] =	sst s0  }
0x9: {  	[smem:$0x3FAF] =	sst s1  }
0xa: {  	[smem:$0x3FB0] =	sst s2  }
0xb: {  	[smem:$0x3FB1] =	sst s3  }
0xc: {  	[smem:$0x3FB2] =	sst s4  }
0xd: {  	[smem:$0x3FB3] =	sst s5  }
0xe: {  	[smem:$0x3FB4] =	sst s6  }
0xf: {  	[smem:$0x3FB5] =	sst s7  }
0x10: {  	[smem:$0x3FB6] =	sst s8  }
0x11: {  	[smem:$0x3FB7] =	sst s9;
	s0 =	simm.s32 @!p0 $0x0  }
0x12: {  	s1 =	sld [smem:$0x3F9D];
	s0 =	simm.s32 @p0 $0x1  }
0x13: {  	[smem:$0x3FB8] =	sst s0;
	s0 =	simm.s32 @!p1 $0x0  }
0x14: {  	s2 =	sld [smem:$0x3F9C];
	s0 =	simm.s32 @p1 $0x1  }
0x15: {  	[smem:$0x3FB9] =	sst s0;
	s0 =	simm.s32 @!p2 $0x0  }
0x16: {  	s3 =	sld [smem:$0x3FDB];
	s0 =	simm.s32 @p2 $0x1  }
0x17: {  	s4 =	simm.s32 $0x1BF5;
	[smem:$0x3FBB] =	sst s0  }
0x18: {  	s0 =	sld [smem:$0x3F9E];
	_ =	swait.ge [sflag:s4], $0x0  }
0x19: {  	s7 =	sld [smem:$0x3F9F]  }
0x1a: {  	s8 =	sadd.s32 $0xFFFFE003, lr  }
0x1b: {  	s9 =	sadd.s32 $0xFFFFFEF7, lr;
	s5 =	simm.s32 $0xFFFFFFFF;
	p2 =	slt.u32 s8, $0xFFFFF086  }
0x1c: {  	p1 =	slt.u32 s9, $0xF7A;
	s5 =	simm.s32 @!p2 $0x0  }
0x1d: {  	s5 =	simm.s32 @p1 $0x1;
	p0 =	seq.s32 s7, s2  }
0x1e: {  	s7 =	smul.u32 @!p0 $0xF7A, s2;
	p2 =	seq.s32 @!p0 s5, $0x0  }
0x1f: {  	s9 =	smul.u32 $0xF7A, s1;
	s8 =	simm.s32 @!p0 $0x1BF5;
	p2 =	por !p2, p0  }
0x20: {  	[sflag:s8] =	ssyncset.s32 @!p0 $0xFFFFF086;
	s6 =	sadd.s32 @!p0 s3, s7;
	s7 =	simm.s32 @!p0 $0x108  }
0x21: {  	s3 =	sadd.s32 s3, s9;
	s6 =	sadd.s32 @!p0 $0x88, s6;
	s7 =	simm.s32 @p2 $0x1082  }
0x22: {  	[simem:s7], [sflag:s8] =	dma.local @!p0 [hbm:s6], $0xF7A  }
0x23: {  	s9 =	sor.u32 $0xD0000000, s2;
	s6 =	simm.s32 $0x108;
	_ =	swait.ge @!p0 [sflag:s8], $0x0  }
0x24: {  	s3 =	sadd.s32 $0x88, s3;
	s6 =	simm.s32 @!p1 $0x1082;
	[sflag:s4] =	ssyncset.s32 $0xFFFFF086  }
0x25: {  	[simem:s6], [sflag:s4] =	dma.local [hbm:s3], $0xF7A  }
0x26: {  	[smem:$0x3F9F] =	sst s1;
	(tag) =	ssettag s2;
	_ =	strace s9  }
0x27: {  	s1 =	sld [smem:$0x3FAF]  }
0x28: {  	s2 =	sld [smem:$0x3FB0]  }
0x29: {  	s4 =	sld [smem:$0x3FB2]  }
0x2a: {  	p0 =	seq.s32 s5, $0x0;
	s5 =	sld [smem:$0x3FB3]  }
0x2b: {  	s6 =	sld [smem:$0x3FB4]  }
0x2c: {  	s7 =	sld [smem:$0x3FB5]  }
0x2d: {  	s3 =	simm.s32 $0x108;
	s8 =	sld [smem:$0x3FB6]  }
0x2e: {  	s3 =	simm.s32 @!p0 $0x1082;
	s9 =	sld [smem:$0x3FB7]  }
0x2f: {  	lr =	sadd.s32 s0, s3;
	s0 =	sld [smem:$0x3FAE]  }
0x30: {  	s3 =	sld [smem:$0x3FB1]  }
0x31: {  	[smem:$0x3FBA] =	sst s10  }
0x32: {  	s10 =	sld [smem:$0x3FB8];
	_ =	sdelay $0x3  }
0x33: {  	p0 =	seq.s32 s10, $0x1;
	s10 =	sld [smem:$0x3FBA];
	_ =	sdelay $0x3  }
0x34: {  	[smem:$0x3FBA] =	sst s10  }
0x35: {  	s10 =	sld [smem:$0x3FB9];
	_ =	sdelay $0x3  }
0x36: {  	p1 =	seq.s32 s10, $0x1;
	s10 =	sld [smem:$0x3FBA];
	_ =	sdelay $0x3  }
0x37: {  	[smem:$0x3FBA] =	sst s10  }
0x38: {  	s10 =	sld [smem:$0x3FBB]  }
0x39: {  	_ = 	snop;
	(pc) =	sbr.ind lr, $3  }
0x3a: {  	_ = 	snop  }
0x3b: {  	_ = 	snop  }
0x3c: {  	p2 =	seq.s32 s10, $0x1;
	s10 =	sld [smem:$0x3FBA]  }
0x3d: {  	_ =	shalt  }
0x3e: {  	_ =	shalt  }
0x3f: {  	_ =	shalt  }
0x40: {  	_ =	shalt  }
0x41: {  	_ =	shalt  }
0x42: {  	_ =	shalt  }
0x43: {  	_ =	shalt  }
0x44: {  	_ =	shalt  }
0x45: {  	_ =	shalt  }
0x46: {  	_ =	shalt  }
0x47: {  	_ =	shalt  }
0x48: {  	_ =	shalt  }
0x49: {  	_ =	shalt  }
0x4a: {  	_ =	shalt  }
0x4b: {  	_ =	shalt  }
0x4c: {  	_ =	shalt  }
0x4d: {  	_ =	shalt  }
0x4e: {  	_ =	shalt  }
0x4f: {  	_ =	shalt  }
0x50: {  	_ =	shalt  }
0x51: {  	_ =	shalt  }
0x52: {  	_ =	shalt  }
0x53: {  	_ =	shalt  }
0x54: {  	_ =	shalt  }
0x55: {  	_ =	shalt  }
0x56: {  	_ =	shalt  }
0x57: {  	_ =	shalt  }
0x58: {  	_ =	shalt  }
0x59: {  	_ =	shalt  }
0x5a: {  	_ =	shalt  }
0x5b: {  	_ =	shalt  }
0x5c: {  	_ =	shalt  }
0x5d: {  	_ =	shalt  }
0x5e: {  	_ =	shalt  }
0x5f: {  	_ =	shalt  }
0x60: {  	_ =	shalt  }
0x61: {  	_ =	shalt  }
0x62: {  	_ =	shalt  }
0x63: {  	_ =	shalt  }
0x64: {  	_ =	shalt  }
0x65: {  	_ =	shalt  }
0x66: {  	_ =	shalt  }
0x67: {  	_ =	shalt  }
0x68: {  	_ =	shalt  }
0x69: {  	_ =	shalt  }
0x6a: {  	_ =	shalt  }
0x6b: {  	_ =	shalt  }
0x6c: {  	_ =	shalt  }
0x6d: {  	_ =	shalt  }
0x6e: {  	_ =	shalt  }
0x6f: {  	_ =	shalt  }
0x70: {  	_ =	shalt  }
0x71: {  	_ =	shalt  }
0x72: {  	_ =	shalt  }
0x73: {  	_ =	shalt  }
0x74: {  	_ =	shalt  }
0x75: {  	_ =	shalt  }
0x76: {  	_ =	shalt  }
0x77: {  	_ =	shalt  }
0x78: {  	_ =	shalt  }
0x79: {  	_ =	shalt  }
0x7a: {  	_ =	shalt  }
0x7b: {  	_ =	shalt  }
0x7c: {  	_ =	shalt  }
0x7d: {  	_ =	shalt  }
0x7e: {  	_ =	shalt  }
0x7f: {  	_ =	shalt  }
0x80: {  	_ =	shalt  }
0x81: {  	_ =	shalt  }
0x82: {  	_ =	shalt  }
0x83: {  	_ =	shalt  }
0x84: {  	_ =	shalt  }
0x85: {  	_ =	shalt  }
0x86: {  	_ =	shalt  }
0x87: {  	_ =	shalt  }
.Lfunc_end0:
.L_simem_size_0:
called_computation_lowered:
.L_overlay_start_0:
0x88: {  	s2 =	sld [smem:$0x3FD9]  }
0x89: {  	s3 =	sld [smem:$0x3FFE];
	_ =	sdelay $0x1  }
0x8a: {  	s1 =	srdreg.scid  }
0x8b: {  	s0 =	sand.u32 $0x1, s1  }
0x8c: {  	s17 =	sshll.u32 s0, $0xA;
	s2 =	sadd.s32 s3, s2  }
0x8d: {  	s2 =	sadd.s32 s2, s17  }
0x8e: {  	[smem:$0x3FC6] =	sst s2  }
0x8f: {  	_ = 	snop  }
0x90: {  	s2 =	sld [smem:$0x3FC8]  }
0x91: {  	s18 =	sld [smem:$0x3FD0];
	(tm) =	ssettm $0x1  }
0x92: {  	s4 =	sld [smem:$0x3FFB];
	_ =	sdelay $0x3  }
0x93: {  	_ =	strace s4  }
0x94: {  	s4 =	sld [smem:$0x3FFC];
	_ =	sdelay $0x3  }
0x95: {  	_ =	strace s4  }
0x96: {  	s4 =	sld [smem:$0x3FFD];
	_ =	sdelay $0x3  }
0x97: {  	_ =	strace s4  }
0x98: {  	_ =	strace $0x8FFFFFFF  }
0x99: {  	s19 =	sld [smem:$0x3FDB];
	_ =	sdelay $0x1  }
0x9a: {  	s5 =	simm.s32 $_scs_section_size  }
0x9b: {  	s6 =	simm.s32 $_size__tile_overlayer_lowered;
	s7 =	simm.s32 $_tile_overlayer_lowered  }
0x9c: {  	s22 =	simm.s32 $0x1BFF;
	s21 =	sshll.u32 s7, $0x1;
	s4 =	sadd.s32 s5, s19  }
0x9d: {  	s8 =	simm.s32 $0x0;
	s20 =	sshll.u32 s6, $0x1;
	s6 =	sadd.s32 s21, s4  }
0x9e: {  	[timem:s8], [sflag:s22] =	dma.local [hbm:s6], s20  }
0x9f: {  	_ =	swait.ge [sflag:s22], s20  }
0xa0: {  	s5 =	ssub.s32 $0x0, s20;
	[sflag:s22] =	ssyncset.done $0x0  }
0xa1: {  	[sflag:s22] =	ssyncadd.s32 s5;
	_ =	sdelay $0x1  }
0xa2: {  	s23 =	simm.s32 $0x1B8B  }
0xa3: {  	_ =	swait.ge [sflag:s23], $0x1  }
0xa4: {  	[sflag:s23] =	ssyncset.done $0x0  }
0xa5: {  	s25 =	simm.s32 $0x1B8E;
	s24 =	sld [smem:$0x3FFE];
	[sflag:s23] =	ssyncadd.s32 $0xFFFFFFFF  }
0xa6: {  	s26 =	simm.s32 $execute0_lowered;
	[smem:$0x3FD2] =	sst s25  }
0xa7: {  	s6 =	sshll.u32 s26, $0x1;
	_ =	strace $0x80000046;
	[dreg:$0x1] =	wrdreg $0xFFFFFFFF  }
0xa8: {  	s28 =	simm.s32 $_size_execute0_lowered;
	s4 =	sadd.s32 s4, s6;
	[dreg:$0x0] =	wrdreg $0x0  }
0xa9: {  	s6 =	sshll.u32 s28, $0x1;
	[dreg:$0x2] =	wrdreg s4  }
0xaa: {  	[dreg:$0x3] =	wrdreg s6  }
0xab: {  	[dreg:$0x4] =	wrdreg $0xC0  }
0xac: {  	_ =	task [dreg:s8], $0x5FFFF  }
0xad: {  	[dreg:$0x1] =	wrdreg $0xFFFFFFFF  }
0xae: {  	[dreg:$0x0] =	wrdreg $0x60  }
0xaf: {  	[dreg:$0x2] =	wrdreg s24  }
0xb0: {  	[dreg:$0x3] =	wrdreg s2  }
0xb1: {  	[dreg:$0x4] =	wrdreg s18  }
0xb2: {  	[dreg:$0x5] =	wrdreg $0x9  }
0xb3: {  	_ =	task.clear_ibuf [dreg:s8], $0x6FFFF;
	_ =	strace $0x90000046  }
0xb4: {  	s29 =	simm.s32 $0x9;
	_ =	strace $0x80000048  }
0xb5: {  	_ =	swait.ge [sflag:s29], $0x1  }
0xb6: {  	[sflag:s29] =	ssyncadd.s32 $0xFFFFFFFF  }
0xb7: {  	_ =	strace $0x90000048  }
0xb8: {  	_ =	sfence  }
0xb9: {  	s30 =	sld [smem:$0x0];
	_ =	sdelay $0x2  }
0xba: {  	s31 =	sshll.u32 s1, $0xD;
	s1 =	sshrl.u32 s1, $0x2  }
0xbb: {  	s3 =	sand.u32 $0x4000, s31;
	s1 =	sadd.s32 s1, s30  }
0xbc: {  	s0 =	sor.u32 s3, s0;
	s1 =	sshll.u32 s1, $0x11  }
0xbd: {  	s0 =	sor.u32 s1, s0  }
0xbe: {  	s0 =	sadd.s32 $0x8F2B, s0  }
0xbf: {  	[sflag:s0] =	ssyncadd.remote.s32 $0x1  }
0xc0: {  	_ =	sfence.sel $0xFFFF  }
0xc1: {  	[dreg:$0x0] =	wrdreg $0xFFFFFFFF;
	(pc) =	sbr.abs _section_cstart, $3  }
0xc2: {  	[dreg:$0x1] =	wrdreg $0xFFFFFFFF  }
0xc3: {  	_ =	task.clear_ibuf [dreg:s8], $0x2FFFF;
	_ =	strace $0x9FFFFFFF  }
0xc4: {  	(tm) =	ssettm $0x7FFFFFFF  }
0xc5: {  	_ =	shalt  }
tec
execute0_lowered:
.L_overlay_start_1:
0x0: {  	(tag) =	ssettag $0x1  }
0x1: {  	s0 =	rddreg [dreg:$0x0]  }
0x2: {  	s1 =	srdreg.scid;
	s2 =	rddreg [dreg:$0x1]  }
0x3: {  	s12 =	stileid.u32;
	s10 =	rddreg [dreg:$0x2];
	s13 =	simm.s32 $0x9  }
0x4: {  	s14 =	simm.s32 $0x80;
	s15 =	simm.s32 $0x6400;
	s16 =	simm.s32 $0xA400  }
0x5: {  	s18 =	simm.s32 $0xE400;
	s19 =	simm.s32 $0x1;
	s9 =	smul.u32 $0x190, s12  }
0x6: {  	s28 =	simm.s32 $0x7;
	s1 =	sand.u32 $0x1, s1;
	s25 =	smul.u32 $0xC8000, s12  }
0x7: {  	s29 =	simm.s32 $0x8;
	s3 =	sshll.u32 s12, $0x1;
	s11 =	smul.u32 $0xC8, s1  }
0x8: {  	s7 =	sor.u32 s1, s3;
	s5 =	ssub.s32 $0x2, s1;
	s1 =	smul.u32 $0x64000, s1  }
0x9: {  	s30 =	simm.s32 $0x0;
	s3 =	simm.s32 $0x0;
	s4 =	smul.u32 $0xC80, s7  }
0xa: {  	[smem:$0x7FF] =	sst s3;
	s6 =	smul.u32 $0x320000, s7;
	s21 =	sshrl.u32 s5, $0x1  }
0xb: {  	s24 =	smul.u32 $0x64000, s7;
	s12 =	sadd.s32 s25, s10;
	s25 =	simm.s32 $0x6  }
0xc: {  	_ =	strace $0x80000047;
	s8 =	ssub.s32 s5, s21;
	s9 =	sadd.s32 s11, s9  }
0xd: {  	s31 =	sadd.s32 s1, s12;
	s21 =	simm.s32 $0x12400;
	s0 =	sadd.s32 s4, s0  }
0xe: {  	s22 =	sshrl.u32 s6, $0x3;
	s7 =	smax.u32 s8, $0x1;
	s8 =	sadd.s32 s10, s24  }
0xf: {  	s26 =	sshll.u32 s9, $0xB;
	s12 =	sadd.s32 $0x2000, s31;
	s24 =	simm.s32 $0x3  }
0x10: {  	s0 =	sadd.s32 $0x400, s0;
	s23 =	sadd.s32 s10, s22;
	s9 =	sadd.s32 $0x800, s8  }
0x11: {  	s22 =	simm.s32 $0x2;
	[dreg:$0x4] =	wrdreg s0;
	s5 =	sadd.s32 $0x63000, s23  }
0x12: {  	s6 =	sadd.s32 $0x63800, s23;
	s0 =	sadd.s32 s26, s10;
	s23 =	simm.s32 $0x5  }
0x13: {  	s26 =	simm.s32 $0x4;
	s10 =	sadd.s32 $0x1800, s0;
	s11 =	sadd.s32 $0x1000, s0  }
.LBB2_1:
0x14: {  	s0 =	rddreg [dreg:$0x4]  }
0x15: {  	[tilespmem:s3], [sflag:$0x9] =	stream.linear.gather [hbm4b:s0+s3], $0x6400, $0x38;
	[tilespmem:$0x16400] =	vst v63  }
0x16: {  	_ =	swait.ge [sflag:s13], $0x6400  }
0x17: {  	[sflag:s13] =	ssyncset.done $0x0  }
0x18: {  	[sflag:s13] =	ssyncadd.s32 $0xFFFF9C00  }
0x19: {  	[tilespmem:s15], [sflag:$0x1] =	stream.indirect.gather [hbm4b:s2+s14], $0x80, s3, s14, $0xb8;
	[tilespmem:$0x16400] =	vst v63  }
0x1a: {  	_ = 	snop  }
0x1b: {  	[tilespmem:s16], [sflag:$0x2] =	stream.indirect.gather [hbm4b:s2+s14], $0x80, s14, s14, $0xb8;
	[tilespmem:$0x16400] =	vst v63  }
0x1c: {  	s17 =	simm.s32 $0x100  }
0x1d: {  	[tilespmem:s18], [sflag:$0x3] =	stream.indirect.gather [hbm4b:s2+s14], $0x80, s17, s14, $0xb8;
	[tilespmem:$0x16400] =	vst v63  }
0x1e: {  	_ =	swait.ge [sflag:s19], $0x4000  }
0x1f: {  	[sflag:s19] =	ssyncset.done $0x0  }
0x20: {  	[sflag:s19] =	ssyncadd.s32 $0xFFFFC000  }
0x21: {  	[hbm4b:s8+s3] =	stream.linear.scatter [tilespmem:s15], [sflag:$0x5], $0x4000, $0x38;
	[tilespmem:$0x16400] =	vst v63  }
0x22: {  	s20 =	simm.s32 $0x180  }
0x23: {  	[tilespmem:s21], [sflag:$0x4] =	stream.indirect.gather [hbm4b:s2+s14], $0x80, s20, s14, $0xb8;
	[tilespmem:$0x16400] =	vst v63  }
0x24: {  	_ =	swait.ge [sflag:s22], $0x4000  }
0x25: {  	[sflag:s22] =	ssyncset.done $0x0  }
0x26: {  	[sflag:s22] =	ssyncadd.s32 $0xFFFFC000  }
0x27: {  	[hbm4b:s9+s3] =	stream.linear.scatter [tilespmem:s16], [sflag:$0x6], $0x4000, $0x38;
	[tilespmem:$0x16400] =	vst v63  }
0x28: {  	_ =	swait.ge [sflag:s23], $0x4000  }
0x29: {  	[sflag:s23] =	ssyncset.done $0x0  }
0x2a: {  	s1 =	simm.s32 $0x200;
	[sflag:s23] =	ssyncadd.s32 $0xFFFFC000  }
0x2b: {  	[tilespmem:s15], [sflag:$0x1] =	stream.indirect.gather [hbm4b:s2+s14], $0x80, s1, s14, $0xb8;
	[tilespmem:$0x16400] =	vst v63  }
0x2c: {  	_ =	swait.ge [sflag:s24], $0x4000  }
0x2d: {  	[sflag:s24] =	ssyncset.done $0x0  }
0x2e: {  	[sflag:s24] =	ssyncadd.s32 $0xFFFFC000  }
0x2f: {  	[hbm4b:s11+s3] =	stream.linear.scatter [tilespmem:s18], [sflag:$0x7], $0x4000, $0x38;
	[tilespmem:$0x16400] =	vst v63  }
0x30: {  	_ =	swait.ge [sflag:s25], $0x4000  }
0x31: {  	[sflag:s25] =	ssyncset.done $0x0  }
0x32: {  	s4 =	simm.s32 $0x280;
	[sflag:s25] =	ssyncadd.s32 $0xFFFFC000  }
0x33: {  	[tilespmem:s16], [sflag:$0x2] =	stream.indirect.gather [hbm4b:s2+s14], $0x80, s4, s14, $0xb8;
	[tilespmem:$0x16400] =	vst v63  }
0x34: {  	_ =	swait.ge [sflag:s26], $0x4000  }
0x35: {  	[sflag:s26] =	ssyncset.done $0x0  }
0x36: {  	[sflag:s26] =	ssyncadd.s32 $0xFFFFC000  }
0x37: {  	[hbm4b:s10+s3] =	stream.linear.scatter [tilespmem:s21], [sflag:$0x8], $0x4000, $0x38;
	[tilespmem:$0x16400] =	vst v63  }
0x38: {  	_ =	swait.ge [sflag:s28], $0x4000  }
0x39: {  	[sflag:s28] =	ssyncset.done $0x0  }
0x3a: {  	s17 =	simm.s32 $0x300;
	[sflag:s28] =	ssyncadd.s32 $0xFFFFC000  }
0x3b: {  	[tilespmem:s18], [sflag:$0x3] =	stream.indirect.gather [hbm4b:s2+s14], $0x80, s17, s14, $0xb8;
	[tilespmem:$0x16400] =	vst v63  }
0x3c: {  	_ =	swait.ge [sflag:s19], $0x4000  }
0x3d: {  	[sflag:s19] =	ssyncset.done $0x0  }
0x3e: {  	[sflag:s19] =	ssyncadd.s32 $0xFFFFC000  }
0x3f: {  	[hbm4b:s12+s3] =	stream.linear.scatter [tilespmem:s15], [sflag:$0x5], $0x4000, $0x38;
	[tilespmem:$0x16400] =	vst v63  }
0x40: {  	_ =	swait.ge [sflag:s29], $0x4000  }
0x41: {  	[sflag:s29] =	ssyncset.done $0x0  }
0x42: {  	s20 =	simm.s32 $0x380;
	[sflag:s29] =	ssyncadd.s32 $0xFFFFC000  }
0x43: {  	[tilespmem:s21], [sflag:$0x4] =	stream.indirect.gather [hbm4b:s2+s14], $0x80, s20, s14, $0xb8;
	[tilespmem:$0x16400] =	vst v63  }
0x44: {  	s31 =	simm.s32 $0x800;
	_ =	swait.ge [sflag:s22], $0x4000  }
0x45: {  	s0 =	sadd.s32 $0x2000, s12;
	s1 =	sadd.s32 $0x2000, s11;
	[sflag:s22] =	ssyncset.done $0x0  }
0x46: {  	s17 =	sadd.s32 $0x2000, s10;
	s20 =	sadd.s32 $0x1000, s10;
	[sflag:s22] =	ssyncadd.s32 $0xFFFFC000  }
.LBB2_2:
0x47: {  	[hbm4b:s20+s3] =	stream.linear.scatter [tilespmem:s16], [sflag:$0x6], $0x4000, $0x38;
	[tilespmem:$0x16400] =	vst v63  }
0x48: {  	s20 =	smov.u32 s31  }
0x49: {  	p0 =	sne.s32 s31, $0x18000;
	s31 =	sadd.s32 $0x800, s31;
	_ =	swait.ge [sflag:s23], $0x4000  }
0x4a: {  	s20 =	sshra.s32 s20, $0x2;
	[sflag:s23] =	ssyncset.done $0x0  }
0x4b: {  	s4 =	sadd.s32 $0x200, s20;
	[sflag:s23] =	ssyncadd.s32 $0xFFFFC000  }
0x4c: {  	[tilespmem:s15], [sflag:$0x1] =	stream.indirect.gather [hbm4b:s2+s14], $0x80, s4, s14, $0xb8;
	[tilespmem:$0x16400] =	vst v63  }
0x4d: {  	_ =	swait.ge [sflag:s24], $0x4000  }
0x4e: {  	[sflag:s24] =	ssyncset.done $0x0  }
0x4f: {  	[sflag:s24] =	ssyncadd.s32 $0xFFFFC000  }
0x50: {  	[hbm4b:s1+s3] =	stream.linear.scatter [tilespmem:s18], [sflag:$0x7], $0x4000, $0x38;
	[tilespmem:$0x16400] =	vst v63  }
0x51: {  	_ =	swait.ge [sflag:s25], $0x4000  }
0x52: {  	[sflag:s25] =	ssyncset.done $0x0  }
0x53: {  	s4 =	sadd.s32 $0x280, s20;
	[sflag:s25] =	ssyncadd.s32 $0xFFFFC000  }
0x54: {  	[tilespmem:s16], [sflag:$0x2] =	stream.indirect.gather [hbm4b:s2+s14], $0x80, s4, s14, $0xb8;
	[tilespmem:$0x16400] =	vst v63  }
0x55: {  	_ =	swait.ge [sflag:s26], $0x4000  }
0x56: {  	[sflag:s26] =	ssyncset.done $0x0  }
0x57: {  	[sflag:s26] =	ssyncadd.s32 $0xFFFFC000  }
0x58: {  	[hbm4b:s17+s3] =	stream.linear.scatter [tilespmem:s21], [sflag:$0x8], $0x4000, $0x38;
	[tilespmem:$0x16400] =	vst v63  }
0x59: {  	_ =	swait.ge [sflag:s28], $0x4000  }
0x5a: {  	[sflag:s28] =	ssyncset.done $0x0  }
0x5b: {  	s4 =	sadd.s32 $0x300, s20;
	[sflag:s28] =	ssyncadd.s32 $0xFFFFC000  }
0x5c: {  	[tilespmem:s18], [sflag:$0x3] =	stream.indirect.gather [hbm4b:s2+s14], $0x80, s4, s14, $0xb8;
	[tilespmem:$0x16400] =	vst v63  }
0x5d: {  	_ =	swait.ge [sflag:s19], $0x4000  }
0x5e: {  	[sflag:s19] =	ssyncset.done $0x0  }
0x5f: {  	[sflag:s19] =	ssyncadd.s32 $0xFFFFC000  }
0x60: {  	[hbm4b:s0+s3] =	stream.linear.scatter [tilespmem:s15], [sflag:$0x5], $0x4000, $0x38;
	[tilespmem:$0x16400] =	vst v63  }
0x61: {  	_ =	swait.ge [sflag:s29], $0x4000  }
0x62: {  	[sflag:s29] =	ssyncset.done $0x0  }
.Ltmp0:
0x63: {  	s4 =	sadd.s32 $0x380, s20;
	[sflag:s29] =	ssyncadd.s32 $0xFFFFC000;
	(pc) =	sbr.rel @p0 .LBB2_2-.Ltmp0, $4  }
0x64: {  	[tilespmem:s21], [sflag:$0x4] =	stream.indirect.gather [hbm4b:s2+s14], $0x80, s4, s14, $0xb8;
	[tilespmem:$0x16400] =	vst v63  }
0x65: {  	_ =	swait.ge [sflag:s22], $0x4000  }
0x66: {  	s1 =	sadd.s32 $0x2000, s1;
	s0 =	sadd.s32 $0x2000, s0;
	[sflag:s22] =	ssyncset.done $0x0  }
0x67: {  	s20 =	sadd.s32 $0x1000, s17;
	s17 =	sadd.s32 $0x2000, s17;
	[sflag:s22] =	ssyncadd.s32 $0xFFFFC000  }
0x68: {  	[hbm4b:s20+s3] =	stream.linear.scatter [tilespmem:s16], [sflag:$0x6], $0x4000, $0x38;
	[tilespmem:$0x16400] =	vst v63  }
0x69: {  	_ =	swait.ge [sflag:s24], $0x4000  }
0x6a: {  	[sflag:s24] =	ssyncset.done $0x0  }
0x6b: {  	[sflag:s24] =	ssyncadd.s32 $0xFFFFC000  }
0x6c: {  	[hbm4b:s5+s3] =	stream.linear.scatter [tilespmem:s18], [sflag:$0x7], $0x4000, $0x38;
	[tilespmem:$0x16400] =	vst v63  }
0x6d: {  	_ =	swait.ge [sflag:s26], $0x4000  }
0x6e: {  	[sflag:s26] =	ssyncset.done $0x0  }
0x6f: {  	[sflag:s26] =	ssyncadd.s32 $0xFFFFC000  }
0x70: {  	[hbm4b:s6+s3] =	stream.linear.scatter [tilespmem:s21], [sflag:$0x8], $0x4000, $0x38;
	[tilespmem:$0x16400] =	vst v63  }
0x71: {  	_ =	swait.ge [sflag:s23], $0x4000  }
0x72: {  	[sflag:s23] =	ssyncset.done $0x0  }
0x73: {  	[sflag:s23] =	ssyncadd.s32 $0xFFFFC000  }
0x74: {  	_ =	swait.ge [sflag:s25], $0x4000  }
0x75: {  	[sflag:s25] =	ssyncset.done $0x0  }
0x76: {  	s30 =	sadd.s32 $0x1, s30;
	[sflag:s25] =	ssyncadd.s32 $0xFFFFC000  }
0x77: {  	p0 =	sne.s32 s30, s7;
	_ =	swait.ge [sflag:s28], $0x4000  }
.Ltmp1:
0x78: {  	[sflag:s28] =	ssyncset.done $0x0;
	(pc) =	sbr.rel @p0 .LBB2_1-.Ltmp1, $4  }
0x79: {  	[sflag:s28] =	ssyncadd.s32 $0xFFFFC000  }
0x7a: {  	_ =	swait.ge [sflag:s29], $0x4000  }
0x7b: {  	[sflag:s29] =	ssyncset.done $0x0  }
0x7c: {  	[sflag:s29] =	ssyncadd.s32 $0xFFFFC000  }
0x7d: {  	_ =	sfence.sel $0x180000  }
0x7e: {  	[bflag:$0x0] =	sbarrier.arrive $0xFFFF  }
0x7f: {  	_ =	strace $0x90000047  }
0x80: {  	s0 =	stileid.u32;
	[bflag:$0x2] =	sbarrier.arrive $0xFFFF  }
0x81: {  	p0 =	sne.s32 s0, $0x0;
	s0 =	rddreg [dreg:$0x3]  }
0x82: {  	s0 =	sadd.s32 @!p0 $0x100000, s0  }
0x83: {  	[sflag:s0] =	ssyncadd.tile.s32 @!p0 $0x1;
	_ =	shalt  }
.Lfunc_end2:
_tile_overlayer_lowered:
.L_overlay_start_2:
0x84: {  	(tag) =	ssettag $0x2  }
0x85: {  	s0 =	rddreg [dreg:$0x0];
	s2 =	stileid.u32  }
0x86: {  	s1 =	rddreg [dreg:$0x1];
	p0 =	sne.s32 s2, $0x0  }
0x87: {  	s3 =	rddreg [dreg:$0x2];
	[bflag:$0x3] =	sbarrier.arrive $0xFFFF;
	s2 =	simm.s32 @!p0 $0x1C09  }
0x88: {  	[timem:s3], [sflag:s2] =	dma.local @!p0 [hbm:s0], s1  }
0x89: {  	s0 =	simm.s32 @!p0 $0x9  }
0x8a: {  	_ =	swait.ge @!p0 [sflag:s0], s1  }
0x8b: {  	s1 =	ssub.s32 @!p0 $0x0, s1;
	[sflag:s0] =	ssyncset.done @!p0 $0x0  }
0x8c: {  	[sflag:s0] =	ssyncadd.s32 @!p0 s1  }
0x8d: {  	[bflag:$0x3] =	sbarrier.arrive $0xFFFF  }
0x8e: {  	_ =	shalt  }

</sc_bundles>
